<compile_context>
chip_gen: v7x
topology: tpu7x:2x2x1
jax: 0.10.2.dev20260603
libtpu: 0.0.44.dev20260713+nightly
codegen_flags: <defaults>
</compile_context>

<pallas_src>
import functools

import jax
import jax.numpy as jnp
from jax import lax
from jax.experimental import pallas as pl
from jax.experimental.pallas import tpu as pltpu
from jax.experimental.pallas import tpu_sc as plsc

N = 160000
D = 256
NUM_SEG = 10000

ROWS_PER_BLOCK = 8192
NUM_BLOCKS = -(-N // ROWS_PER_BLOCK)

NUM_TILES = 16
ROWS_PER_TILE = N // NUM_TILES
VECS_PER_TILE = ROWS_PER_TILE // 16
SEG_PAD = 10240
CHUNK = SEG_PAD // NUM_TILES
CHUNK_VECS = CHUNK // 16


def _matvec_body(x_ref, wt_ref, o_ref):
    o_ref[...] = jnp.sum(x_ref[...] * wt_ref[...], axis=1).reshape(
        ROWS_PER_BLOCK // 128, 128)


def _matvec(x, W):
    wt = W.reshape(1, D)
    v2 = pl.pallas_call(
        _matvec_body,
        grid=(NUM_BLOCKS,),
        in_specs=[
            pl.BlockSpec((ROWS_PER_BLOCK, D), lambda i: (i, 0)),
            pl.BlockSpec((1, D), lambda i: (0, 0)),
        ],
        out_specs=pl.BlockSpec((ROWS_PER_BLOCK // 128, 128),
                               lambda i: (i, 0)),
        out_shape=jax.ShapeDtypeStruct((N // 128, 128), jnp.float32),
    )(x, wt)
    return v2.reshape(N)


def _segsum_body(v_hbm, ids_hbm, bvec_hbm, out_hbm,
                 vals_v, ids_v, acc_v, red_v, out_v, bvec_v, shared,
                 sem1, sem2, sem3):
    c = lax.axis_index("c")
    s = lax.axis_index("s")

    h1 = pltpu.async_copy(
        v_hbm.at[pl.ds(s * ROWS_PER_TILE, ROWS_PER_TILE)], vals_v, sem1)
    h2 = pltpu.async_copy(
        ids_hbm.at[pl.ds(s * ROWS_PER_TILE, ROWS_PER_TILE)], ids_v, sem2)
    h3 = pltpu.async_copy(bvec_hbm, bvec_v, sem3)

    def zero_body(j, _):
        acc_v[pl.ds(j * 16, 16)] = jnp.zeros((16,), jnp.float32)
        return 0
    lax.fori_loop(0, SEG_PAD // 16, zero_body, 0)
    h1.wait()
    h2.wait()

    lanes = jnp.arange(16, dtype=jnp.int32) * VECS_PER_TILE

    def scat_body(j, _):
        for u in range(25):
            pos = lanes + (25 * j + u)
            idv = plsc.load_gather(ids_v, [pos])
            vv = plsc.load_gather(vals_v, [pos])
            plsc.addupdate_scatter(acc_v, [idv], vv)
        return 0
    lax.fori_loop(0, VECS_PER_TILE // 25, scat_body, 0)

    pltpu.sync_copy(acc_v, shared.at[s])
    plsc.subcore_barrier()
    pltpu.sync_copy(shared.at[:, pl.ds(s * CHUNK, CHUNK)], red_v)
    h3.wait()

    def merge_body(j, _):
        tot = bvec_v[...]
        for t in range(NUM_TILES):
            tot = tot + red_v[t, pl.ds(j * 16, 16)]
        out_v[pl.ds(j * 16, 16)] = tot
        return 0
    lax.fori_loop(0, CHUNK_VECS, merge_body, 0)

    half = NUM_TILES // 2

    @pl.when(jnp.logical_and(c == 0, s < half))
    def _():
        pltpu.sync_copy(out_v, out_hbm.at[pl.ds(s * CHUNK, CHUNK)])

    @pl.when(jnp.logical_and(c == 1, jnp.logical_and(s >= half, s < NUM_TILES - 1)))
    def _():
        pltpu.sync_copy(out_v, out_hbm.at[pl.ds(s * CHUNK, CHUNK)])

    last = NUM_SEG - (NUM_TILES - 1) * CHUNK

    @pl.when(jnp.logical_and(c == 1, s == NUM_TILES - 1))
    def _():
        pltpu.sync_copy(out_v.at[pl.ds(0, last)],
                        out_hbm.at[pl.ds((NUM_TILES - 1) * CHUNK, last)])


def _segsum(v, ids, bvec):
    mesh = plsc.VectorSubcoreMesh(core_axis_name="c", subcore_axis_name="s")
    f = functools.partial(
        pl.kernel,
        out_type=jax.ShapeDtypeStruct((NUM_SEG,), jnp.float32),
        mesh=mesh,
        scratch_types=[
            pltpu.VMEM((ROWS_PER_TILE,), jnp.float32),
            pltpu.VMEM((ROWS_PER_TILE,), jnp.int32),
            pltpu.VMEM((SEG_PAD,), jnp.float32),
            pltpu.VMEM((NUM_TILES, CHUNK), jnp.float32),
            pltpu.VMEM((CHUNK,), jnp.float32),
            pltpu.VMEM((16,), jnp.float32),
            pltpu.VMEM_SHARED((NUM_TILES, SEG_PAD), jnp.float32),
            pltpu.SemaphoreType.DMA,
            pltpu.SemaphoreType.DMA,
            pltpu.SemaphoreType.DMA,
        ],
        compiler_params=pltpu.CompilerParams(needs_layout_passes=False),
    )(_segsum_body)
    return f(v, ids, bvec)


@jax.jit
def kernel(x, y, z, W, b):
    del z
    v = _matvec(x, W)
    ids = y.reshape(N).astype(jnp.int32)
    bvec = jnp.broadcast_to(b.astype(jnp.float32), (16,))
    out = _segsum(v, ids, bvec)
    return out.reshape(NUM_SEG, 1)

# --- scband reference (transcript-rebuilt; emitter-appended) ---
"""Pipeline reference for scband-m2-11879879542428 (READ-ONLY COPY).

The authoritative reference and input builder live on the scoring server;
editing this copy changes nothing except your own understanding.
"""

import jax, jax.numpy as jnp
import numpy as np

N = 160000
D = 256
NUM_SEG = 10000

def setup_inputs(seed: int = 0) -> dict:
    key = jax.random.key(seed)
    k1, k2, k3, k4 = jax.random.split(key, 4)
    x = jax.random.normal(k1, (N, D), dtype=jnp.float32)
    y = jnp.sort(jax.random.randint(k2, (N, 1), 0, NUM_SEG), axis=0)
    z = jax.random.normal(k3, (1,), dtype=jnp.float32)
    W = jax.random.normal(k4, (D, 1), dtype=jnp.float32) * (1.0 / np.sqrt(D))
    b = jnp.zeros((1,), dtype=jnp.float32)
    return {"x": x, "y": y, "z": z, "W": W, "b": b}

def reference(x, y, z, W, b):
    # x = tf.math.segment_sum(x, tf.squeeze(y)); return Dense(1)(x)
    seg = jnp.squeeze(y)
    s = jax.ops.segment_sum(x, seg, num_segments=NUM_SEG)
    return s @ W + b

if __name__ == "__main__":
    import jax
    _d = setup_inputs()
    print(jax.jit(kernel)(*tuple(_d.values())))

</pallas_src>

<mosaic_0001>
#map = affine_map<(d0, d1) -> (0)>
module attributes {stable_mosaic.version = 14 : i64} {
  func.func @_segsum_body(%arg0: i32, %arg1: i32, %arg2: memref<160000xf32, #tpu.memory_space<hbm>>, %arg3: memref<160000xi32, #tpu.memory_space<hbm>>, %arg4: memref<16xf32, #tpu.memory_space<hbm>>, %arg5: memref<10000xf32, #tpu.memory_space<hbm>>, %arg6: memref<10000xf32, #tpu.memory_space<vmem>>, %arg7: memref<10000xi32, #tpu.memory_space<vmem>>, %arg8: memref<10240xf32, #tpu.memory_space<vmem>>, %arg9: memref<16x640xf32, #tpu.memory_space<vmem>>, %arg10: memref<640xf32, #tpu.memory_space<vmem>>, %arg11: memref<16xf32, #tpu.memory_space<vmem>>, %arg12: memref<16x10240xf32, #tpu.memory_space<vmem_shared>>, %arg13: memref<!tpu.dma_semaphore, #tpu.memory_space<semaphore_mem>>, %arg14: memref<!tpu.dma_semaphore, #tpu.memory_space<semaphore_mem>>, %arg15: memref<!tpu.dma_semaphore, #tpu.memory_space<semaphore_mem>>) attributes {dimension_semantics = [#tpu.dimension_semantics<core_parallel>, #tpu.dimension_semantics<subcore_parallel>], iteration_bounds = array<i64: 2, 16>, scalar_prefetch = 0 : i64, scratch_operands = 10 : i64, tpu.core_type = #tpu.core_type<sc_vector_subcore>, window_params = [{transform_indices = #map}, {transform_indices = #map}, {transform_indices = #map}, {transform_indices = #map}]} {
    %mul3A = arith.constant 10000 : i32
    %mul3A_0 = arith.muli %arg1, %mul3A : i32
    %dma_start3A = tpu.memref_slice %arg2[%mul3A_0] : memref<160000xf32, #tpu.memory_space<hbm>> -> memref<10000xf32, #tpu.memory_space<hbm>>
    %dma_start3A_1 = tpu.memref_slice %arg2[%mul3A_0] : memref<160000xf32, #tpu.memory_space<hbm>> -> memref<10000xf32, #tpu.memory_space<hbm>>
    tpu.enqueue_dma source(%dma_start3A_1 : memref<10000xf32, #tpu.memory_space<hbm>>) target(%arg6 : memref<10000xf32, #tpu.memory_space<vmem>>) target_semaphore(%arg13 : memref<!tpu.dma_semaphore, #tpu.memory_space<semaphore_mem>>)
    %mul3A_2 = arith.constant 10000 : i32
    %mul3A_3 = arith.muli %arg1, %mul3A_2 : i32
    %dma_start3A_4 = tpu.memref_slice %arg3[%mul3A_3] : memref<160000xi32, #tpu.memory_space<hbm>> -> memref<10000xi32, #tpu.memory_space<hbm>>
    %dma_start3A_5 = tpu.memref_slice %arg3[%mul3A_3] : memref<160000xi32, #tpu.memory_space<hbm>> -> memref<10000xi32, #tpu.memory_space<hbm>>
    tpu.enqueue_dma source(%dma_start3A_5 : memref<10000xi32, #tpu.memory_space<hbm>>) target(%arg7 : memref<10000xi32, #tpu.memory_space<vmem>>) target_semaphore(%arg14 : memref<!tpu.dma_semaphore, #tpu.memory_space<semaphore_mem>>)
    tpu.enqueue_dma source(%arg4 : memref<16xf32, #tpu.memory_space<hbm>>) target(%arg11 : memref<16xf32, #tpu.memory_space<vmem>>) target_semaphore(%arg15 : memref<!tpu.dma_semaphore, #tpu.memory_space<semaphore_mem>>)
    %scan3A = arith.constant 0 : i32
    %scan3A_6 = arith.constant 0 : i32
    %scan3A_7 = arith.constant 640 : i32
    %scan3A_8 = arith.addi %scan3A_6, %scan3A_7 : i32
    %scan3A_9 = arith.constant 1 : i32
    %scan3A_10 = scf.for %scan3A_55 = %scan3A_6 to %scan3A_8 step %scan3A_9 iter_args(%scan3A_56 = %scan3A) -> (i32)  : i32 {
      %broadcast_in_dim3A = arith.constant 0.000000e+00 : f32
      %broadcast_in_dim3A_57 = vector.broadcast %broadcast_in_dim3A : f32 to vector<16xf32>
      %mul3A_58 = arith.constant 16 : i32
      %mul3A_59 = arith.muli %scan3A_55, %mul3A_58 : i32
      %swap3A = arith.index_cast %mul3A_59 : i32 to index
      %swap3A_60 = tpu.vector_load %arg8[%swap3A] {strides = array<i32>} : memref<10240xf32, #tpu.memory_space<vmem>>, vector<16xf32>,
      tpu.vector_store %arg8[%swap3A], %broadcast_in_dim3A_57 {strides = array<i32>} : memref<10240xf32, #tpu.memory_space<vmem>>, vector<16xf32>,
      %scan3A_61 = arith.constant 0 : i32
      scf.yield %scan3A_61 : i32
    }
    %scan3A_11 = arith.constant 640 : i32
    %dma_wait3A = tpu.memref_slice %arg2[%mul3A_0] : memref<160000xf32, #tpu.memory_space<hbm>> -> memref<10000xf32, #tpu.memory_space<hbm>>
    %dma_wait3A_12 = tpu.memref_slice %arg2[%mul3A_0] : memref<160000xf32, #tpu.memory_space<hbm>> -> memref<10000xf32, #tpu.memory_space<hbm>>
    tpu.wait_dma2 semaphore(%arg13 : memref<!tpu.dma_semaphore, #tpu.memory_space<semaphore_mem>>) src(%dma_wait3A_12 : memref<10000xf32, #tpu.memory_space<hbm>>) dst(%arg6 : memref<10000xf32, #tpu.memory_space<vmem>>)
    %dma_wait3A_13 = tpu.memref_slice %arg3[%mul3A_3] : memref<160000xi32, #tpu.memory_space<hbm>> -> memref<10000xi32, #tpu.memory_space<hbm>>
    %dma_wait3A_14 = tpu.memref_slice %arg3[%mul3A_3] : memref<160000xi32, #tpu.memory_space<hbm>> -> memref<10000xi32, #tpu.memory_space<hbm>>
    tpu.wait_dma2 semaphore(%arg14 : memref<!tpu.dma_semaphore, #tpu.memory_space<semaphore_mem>>) src(%dma_wait3A_14 : memref<10000xi32, #tpu.memory_space<hbm>>) dst(%arg7 : memref<10000xi32, #tpu.memory_space<vmem>>)
    %iota3A = tpu.iota {dimensions = array<i32: 0>} : vector<16xi32>
    %mul3A_15 = arith.constant 625 : i32
    %mul3A_16 = vector.broadcast %mul3A_15 : i32 to vector<16xi32>
    %mul3A_17 = arith.muli %iota3A, %mul3A_16 : vector<16xi32>
    %scan3A_18 = arith.constant 0 : i32
    %scan3A_19 = arith.constant 0 : i32
    %scan3A_20 = arith.constant 25 : i32
    %scan3A_21 = arith.addi %scan3A_19, %scan3A_20 : i32
    %scan3A_22 = arith.constant 1 : i32
    %scan3A_23 = scf.for %scan3A_55 = %scan3A_19 to %scan3A_21 step %scan3A_22 iter_args(%scan3A_56 = %scan3A_18) -> (i32)  : i32 {
      %mul3A_57 = arith.constant 25 : i32
      %mul3A_58 = arith.muli %mul3A_57, %scan3A_55 : i32
      %add3A = arith.constant 0 : i32
      %add3A_59 = arith.addi %mul3A_58, %add3A : i32
      %add3A_60 = vector.broadcast %add3A_59 : i32 to vector<16xi32>
      %add3A_61 = arith.addi %mul3A_17, %add3A_60 : vector<16xi32>
      %gather3A = tpu.vector_load_idx %arg7[%add3A_61] : memref<10000xi32, #tpu.memory_space<vmem>>[vector<16xi32>], vector<16xi32>,
      %gather3A_62 = tpu.vector_load_idx %arg6[%add3A_61] : memref<10000xf32, #tpu.memory_space<vmem>>[vector<16xi32>], vector<16xf32>,
      tpu.vector_store_idx %arg8[%gather3A], %gather3A_62 {add = true} : memref<10240xf32, #tpu.memory_space<vmem>>[vector<16xi32>], vector<16xf32>,
      %mul3A_63 = arith.constant 25 : i32
      %mul3A_64 = arith.muli %mul3A_63, %scan3A_55 : i32
      %add3A_65 = arith.constant 1 : i32
      %add3A_66 = arith.addi %mul3A_64, %add3A_65 : i32
      %add3A_67 = vector.broadcast %add3A_66 : i32 to vector<16xi32>
      %add3A_68 = arith.addi %mul3A_17, %add3A_67 : vector<16xi32>
      %gather3A_69 = tpu.vector_load_idx %arg7[%add3A_68] : memref<10000xi32, #tpu.memory_space<vmem>>[vector<16xi32>], vector<16xi32>,
      %gather3A_70 = tpu.vector_load_idx %arg6[%add3A_68] : memref<10000xf32, #tpu.memory_space<vmem>>[vector<16xi32>], vector<16xf32>,
      tpu.vector_store_idx %arg8[%gather3A_69], %gather3A_70 {add = true} : memref<10240xf32, #tpu.memory_space<vmem>>[vector<16xi32>], vector<16xf32>,
      %mul3A_71 = arith.constant 25 : i32
      %mul3A_72 = arith.muli %mul3A_71, %scan3A_55 : i32
      %add3A_73 = arith.constant 2 : i32
      %add3A_74 = arith.addi %mul3A_72, %add3A_73 : i32
      %add3A_75 = vector.broadcast %add3A_74 : i32 to vector<16xi32>
      %add3A_76 = arith.addi %mul3A_17, %add3A_75 : vector<16xi32>
      %gather3A_77 = tpu.vector_load_idx %arg7[%add3A_76] : memref<10000xi32, #tpu.memory_space<vmem>>[vector<16xi32>], vector<16xi32>,
      %gather3A_78 = tpu.vector_load_idx %arg6[%add3A_76] : memref<10000xf32, #tpu.memory_space<vmem>>[vector<16xi32>], vector<16xf32>,
      tpu.vector_store_idx %arg8[%gather3A_77], %gather3A_78 {add = true} : memref<10240xf32, #tpu.memory_space<vmem>>[vector<16xi32>], vector<16xf32>,
      %mul3A_79 = arith.constant 25 : i32
      %mul3A_80 = arith.muli %mul3A_79, %scan3A_55 : i32
      %add3A_81 = arith.constant 3 : i32
      %add3A_82 = arith.addi %mul3A_80, %add3A_81 : i32
      %add3A_83 = vector.broadcast %add3A_82 : i32 to vector<16xi32>
      %add3A_84 = arith.addi %mul3A_17, %add3A_83 : vector<16xi32>
      %gather3A_85 = tpu.vector_load_idx %arg7[%add3A_84] : memref<10000xi32, #tpu.memory_space<vmem>>[vector<16xi32>], vector<16xi32>,
      %gather3A_86 = tpu.vector_load_idx %arg6[%add3A_84] : memref<10000xf32, #tpu.memory_space<vmem>>[vector<16xi32>], vector<16xf32>,
      tpu.vector_store_idx %arg8[%gather3A_85], %gather3A_86 {add = true} : memref<10240xf32, #tpu.memory_space<vmem>>[vector<16xi32>], vector<16xf32>,
      %mul3A_87 = arith.constant 25 : i32
      %mul3A_88 = arith.muli %mul3A_87, %scan3A_55 : i32
      %add3A_89 = arith.constant 4 : i32
      %add3A_90 = arith.addi %mul3A_88, %add3A_89 : i32
      %add3A_91 = vector.broadcast %add3A_90 : i32 to vector<16xi32>
      %add3A_92 = arith.addi %mul3A_17, %add3A_91 : vector<16xi32>
      %gather3A_93 = tpu.vector_load_idx %arg7[%add3A_92] : memref<10000xi32, #tpu.memory_space<vmem>>[vector<16xi32>], vector<16xi32>,
      %gather3A_94 = tpu.vector_load_idx %arg6[%add3A_92] : memref<10000xf32, #tpu.memory_space<vmem>>[vector<16xi32>], vector<16xf32>,
      tpu.vector_store_idx %arg8[%gather3A_93], %gather3A_94 {add = true} : memref<10240xf32, #tpu.memory_space<vmem>>[vector<16xi32>], vector<16xf32>,
      %mul3A_95 = arith.constant 25 : i32
      %mul3A_96 = arith.muli %mul3A_95, %scan3A_55 : i32
      %add3A_97 = arith.constant 5 : i32
      %add3A_98 = arith.addi %mul3A_96, %add3A_97 : i32
      %add3A_99 = vector.broadcast %add3A_98 : i32 to vector<16xi32>
      %add3A_100 = arith.addi %mul3A_17, %add3A_99 : vector<16xi32>
      %gather3A_101 = tpu.vector_load_idx %arg7[%add3A_100] : memref<10000xi32, #tpu.memory_space<vmem>>[vector<16xi32>], vector<16xi32>,
      %gather3A_102 = tpu.vector_load_idx %arg6[%add3A_100] : memref<10000xf32, #tpu.memory_space<vmem>>[vector<16xi32>], vector<16xf32>,
      tpu.vector_store_idx %arg8[%gather3A_101], %gather3A_102 {add = true} : memref<10240xf32, #tpu.memory_space<vmem>>[vector<16xi32>], vector<16xf32>,
      %mul3A_103 = arith.constant 25 : i32
      %mul3A_104 = arith.muli %mul3A_103, %scan3A_55 : i32
      %add3A_105 = arith.constant 6 : i32
      %add3A_106 = arith.addi %mul3A_104, %add3A_105 : i32
      %add3A_107 = vector.broadcast %add3A_106 : i32 to vector<16xi32>
      %add3A_108 = arith.addi %mul3A_17, %add3A_107 : vector<16xi32>
      %gather3A_109 = tpu.vector_load_idx %arg7[%add3A_108] : memref<10000xi32, #tpu.memory_space<vmem>>[vector<16xi32>], vector<16xi32>,
      %gather3A_110 = tpu.vector_load_idx %arg6[%add3A_108] : memref<10000xf32, #tpu.memory_space<vmem>>[vector<16xi32>], vector<16xf32>,
      tpu.vector_store_idx %arg8[%gather3A_109], %gather3A_110 {add = true} : memref<10240xf32, #tpu.memory_space<vmem>>[vector<16xi32>], vector<16xf32>,
      %mul3A_111 = arith.constant 25 : i32
      %mul3A_112 = arith.muli %mul3A_111, %scan3A_55 : i32
      %add3A_113 = arith.constant 7 : i32
      %add3A_114 = arith.addi %mul3A_112, %add3A_113 : i32
      %add3A_115 = vector.broadcast %add3A_114 : i32 to vector<16xi32>
      %add3A_116 = arith.addi %mul3A_17, %add3A_115 : vector<16xi32>
      %gather3A_117 = tpu.vector_load_idx %arg7[%add3A_116] : memref<10000xi32, #tpu.memory_space<vmem>>[vector<16xi32>], vector<16xi32>,
      %gather3A_118 = tpu.vector_load_idx %arg6[%add3A_116] : memref<10000xf32, #tpu.memory_space<vmem>>[vector<16xi32>], vector<16xf32>,
      tpu.vector_store_idx %arg8[%gather3A_117], %gather3A_118 {add = true} : memref<10240xf32, #tpu.memory_space<vmem>>[vector<16xi32>], vector<16xf32>,
      %mul3A_119 = arith.constant 25 : i32
      %mul3A_120 = arith.muli %mul3A_119, %scan3A_55 : i32
      %add3A_121 = arith.constant 8 : i32
      %add3A_122 = arith.addi %mul3A_120, %add3A_121 : i32
      %add3A_123 = vector.broadcast %add3A_122 : i32 to vector<16xi32>
      %add3A_124 = arith.addi %mul3A_17, %add3A_123 : vector<16xi32>
      %gather3A_125 = tpu.vector_load_idx %arg7[%add3A_124] : memref<10000xi32, #tpu.memory_space<vmem>>[vector<16xi32>], vector<16xi32>,
      %gather3A_126 = tpu.vector_load_idx %arg6[%add3A_124] : memref<10000xf32, #tpu.memory_space<vmem>>[vector<16xi32>], vector<16xf32>,
      tpu.vector_store_idx %arg8[%gather3A_125], %gather3A_126 {add = true} : memref<10240xf32, #tpu.memory_space<vmem>>[vector<16xi32>], vector<16xf32>,
      %mul3A_127 = arith.constant 25 : i32
      %mul3A_128 = arith.muli %mul3A_127, %scan3A_55 : i32
      %add3A_129 = arith.constant 9 : i32
      %add3A_130 = arith.addi %mul3A_128, %add3A_129 : i32
      %add3A_131 = vector.broadcast %add3A_130 : i32 to vector<16xi32>
      %add3A_132 = arith.addi %mul3A_17, %add3A_131 : vector<16xi32>
      %gather3A_133 = tpu.vector_load_idx %arg7[%add3A_132] : memref<10000xi32, #tpu.memory_space<vmem>>[vector<16xi32>], vector<16xi32>,
      %gather3A_134 = tpu.vector_load_idx %arg6[%add3A_132] : memref<10000xf32, #tpu.memory_space<vmem>>[vector<16xi32>], vector<16xf32>,
      tpu.vector_store_idx %arg8[%gather3A_133], %gather3A_134 {add = true} : memref<10240xf32, #tpu.memory_space<vmem>>[vector<16xi32>], vector<16xf32>,
      %mul3A_135 = arith.constant 25 : i32
      %mul3A_136 = arith.muli %mul3A_135, %scan3A_55 : i32
      %add3A_137 = arith.constant 10 : i32
      %add3A_138 = arith.addi %mul3A_136, %add3A_137 : i32
      %add3A_139 = vector.broadcast %add3A_138 : i32 to vector<16xi32>
      %add3A_140 = arith.addi %mul3A_17, %add3A_139 : vector<16xi32>
      %gather3A_141 = tpu.vector_load_idx %arg7[%add3A_140] : memref<10000xi32, #tpu.memory_space<vmem>>[vector<16xi32>], vector<16xi32>,
      %gather3A_142 = tpu.vector_load_idx %arg6[%add3A_140] : memref<10000xf32, #tpu.memory_space<vmem>>[vector<16xi32>], vector<16xf32>,
      tpu.vector_store_idx %arg8[%gather3A_141], %gather3A_142 {add = true} : memref<10240xf32, #tpu.memory_space<vmem>>[vector<16xi32>], vector<16xf32>,
      %mul3A_143 = arith.constant 25 : i32
      %mul3A_144 = arith.muli %mul3A_143, %scan3A_55 : i32
      %add3A_145 = arith.constant 11 : i32
      %add3A_146 = arith.addi %mul3A_144, %add3A_145 : i32
      %add3A_147 = vector.broadcast %add3A_146 : i32 to vector<16xi32>
      %add3A_148 = arith.addi %mul3A_17, %add3A_147 : vector<16xi32>
      %gather3A_149 = tpu.vector_load_idx %arg7[%add3A_148] : memref<10000xi32, #tpu.memory_space<vmem>>[vector<16xi32>], vector<16xi32>,
      %gather3A_150 = tpu.vector_load_idx %arg6[%add3A_148] : memref<10000xf32, #tpu.memory_space<vmem>>[vector<16xi32>], vector<16xf32>,
      tpu.vector_store_idx %arg8[%gather3A_149], %gather3A_150 {add = true} : memref<10240xf32, #tpu.memory_space<vmem>>[vector<16xi32>], vector<16xf32>,
      %mul3A_151 = arith.constant 25 : i32
      %mul3A_152 = arith.muli %mul3A_151, %scan3A_55 : i32
      %add3A_153 = arith.constant 12 : i32
      %add3A_154 = arith.addi %mul3A_152, %add3A_153 : i32
      %add3A_155 = vector.broadcast %add3A_154 : i32 to vector<16xi32>
      %add3A_156 = arith.addi %mul3A_17, %add3A_155 : vector<16xi32>
      %gather3A_157 = tpu.vector_load_idx %arg7[%add3A_156] : memref<10000xi32, #tpu.memory_space<vmem>>[vector<16xi32>], vector<16xi32>,
      %gather3A_158 = tpu.vector_load_idx %arg6[%add3A_156] : memref<10000xf32, #tpu.memory_space<vmem>>[vector<16xi32>], vector<16xf32>,
      tpu.vector_store_idx %arg8[%gather3A_157], %gather3A_158 {add = true} : memref<10240xf32, #tpu.memory_space<vmem>>[vector<16xi32>], vector<16xf32>,
      %mul3A_159 = arith.constant 25 : i32
      %mul3A_160 = arith.muli %mul3A_159, %scan3A_55 : i32
      %add3A_161 = arith.constant 13 : i32
      %add3A_162 = arith.addi %mul3A_160, %add3A_161 : i32
      %add3A_163 = vector.broadcast %add3A_162 : i32 to vector<16xi32>
      %add3A_164 = arith.addi %mul3A_17, %add3A_163 : vector<16xi32>
      %gather3A_165 = tpu.vector_load_idx %arg7[%add3A_164] : memref<10000xi32, #tpu.memory_space<vmem>>[vector<16xi32>], vector<16xi32>,
      %gather3A_166 = tpu.vector_load_idx %arg6[%add3A_164] : memref<10000xf32, #tpu.memory_space<vmem>>[vector<16xi32>], vector<16xf32>,
      tpu.vector_store_idx %arg8[%gather3A_165], %gather3A_166 {add = true} : memref<10240xf32, #tpu.memory_space<vmem>>[vector<16xi32>], vector<16xf32>,
      %mul3A_167 = arith.constant 25 : i32
      %mul3A_168 = arith.muli %mul3A_167, %scan3A_55 : i32
      %add3A_169 = arith.constant 14 : i32
      %add3A_170 = arith.addi %mul3A_168, %add3A_169 : i32
      %add3A_171 = vector.broadcast %add3A_170 : i32 to vector<16xi32>
      %add3A_172 = arith.addi %mul3A_17, %add3A_171 : vector<16xi32>
      %gather3A_173 = tpu.vector_load_idx %arg7[%add3A_172] : memref<10000xi32, #tpu.memory_space<vmem>>[vector<16xi32>], vector<16xi32>,
      %gather3A_174 = tpu.vector_load_idx %arg6[%add3A_172] : memref<10000xf32, #tpu.memory_space<vmem>>[vector<16xi32>], vector<16xf32>,
      tpu.vector_store_idx %arg8[%gather3A_173], %gather3A_174 {add = true} : memref<10240xf32, #tpu.memory_space<vmem>>[vector<16xi32>], vector<16xf32>,
      %mul3A_175 = arith.constant 25 : i32
      %mul3A_176 = arith.muli %mul3A_175, %scan3A_55 : i32
      %add3A_177 = arith.constant 15 : i32
      %add3A_178 = arith.addi %mul3A_176, %add3A_177 : i32
      %add3A_179 = vector.broadcast %add3A_178 : i32 to vector<16xi32>
      %add3A_180 = arith.addi %mul3A_17, %add3A_179 : vector<16xi32>
      %gather3A_181 = tpu.vector_load_idx %arg7[%add3A_180] : memref<10000xi32, #tpu.memory_space<vmem>>[vector<16xi32>], vector<16xi32>,
      %gather3A_182 = tpu.vector_load_idx %arg6[%add3A_180] : memref<10000xf32, #tpu.memory_space<vmem>>[vector<16xi32>], vector<16xf32>,
      tpu.vector_store_idx %arg8[%gather3A_181], %gather3A_182 {add = true} : memref<10240xf32, #tpu.memory_space<vmem>>[vector<16xi32>], vector<16xf32>,
      %mul3A_183 = arith.constant 25 : i32
      %mul3A_184 = arith.muli %mul3A_183, %scan3A_55 : i32
      %add3A_185 = arith.constant 16 : i32
      %add3A_186 = arith.addi %mul3A_184, %add3A_185 : i32
      %add3A_187 = vector.broadcast %add3A_186 : i32 to vector<16xi32>
      %add3A_188 = arith.addi %mul3A_17, %add3A_187 : vector<16xi32>
      %gather3A_189 = tpu.vector_load_idx %arg7[%add3A_188] : memref<10000xi32, #tpu.memory_space<vmem>>[vector<16xi32>], vector<16xi32>,
      %gather3A_190 = tpu.vector_load_idx %arg6[%add3A_188] : memref<10000xf32, #tpu.memory_space<vmem>>[vector<16xi32>], vector<16xf32>,
      tpu.vector_store_idx %arg8[%gather3A_189], %gather3A_190 {add = true} : memref<10240xf32, #tpu.memory_space<vmem>>[vector<16xi32>], vector<16xf32>,
      %mul3A_191 = arith.constant 25 : i32
      %mul3A_192 = arith.muli %mul3A_191, %scan3A_55 : i32
      %add3A_193 = arith.constant 17 : i32
      %add3A_194 = arith.addi %mul3A_192, %add3A_193 : i32
      %add3A_195 = vector.broadcast %add3A_194 : i32 to vector<16xi32>
      %add3A_196 = arith.addi %mul3A_17, %add3A_195 : vector<16xi32>
      %gather3A_197 = tpu.vector_load_idx %arg7[%add3A_196] : memref<10000xi32, #tpu.memory_space<vmem>>[vector<16xi32>], vector<16xi32>,
      %gather3A_198 = tpu.vector_load_idx %arg6[%add3A_196] : memref<10000xf32, #tpu.memory_space<vmem>>[vector<16xi32>], vector<16xf32>,
      tpu.vector_store_idx %arg8[%gather3A_197], %gather3A_198 {add = true} : memref<10240xf32, #tpu.memory_space<vmem>>[vector<16xi32>], vector<16xf32>,
      %mul3A_199 = arith.constant 25 : i32
      %mul3A_200 = arith.muli %mul3A_199, %scan3A_55 : i32
      %add3A_201 = arith.constant 18 : i32
      %add3A_202 = arith.addi %mul3A_200, %add3A_201 : i32
      %add3A_203 = vector.broadcast %add3A_202 : i32 to vector<16xi32>
      %add3A_204 = arith.addi %mul3A_17, %add3A_203 : vector<16xi32>
      %gather3A_205 = tpu.vector_load_idx %arg7[%add3A_204] : memref<10000xi32, #tpu.memory_space<vmem>>[vector<16xi32>], vector<16xi32>,
      %gather3A_206 = tpu.vector_load_idx %arg6[%add3A_204] : memref<10000xf32, #tpu.memory_space<vmem>>[vector<16xi32>], vector<16xf32>,
      tpu.vector_store_idx %arg8[%gather3A_205], %gather3A_206 {add = true} : memref<10240xf32, #tpu.memory_space<vmem>>[vector<16xi32>], vector<16xf32>,
      %mul3A_207 = arith.constant 25 : i32
      %mul3A_208 = arith.muli %mul3A_207, %scan3A_55 : i32
      %add3A_209 = arith.constant 19 : i32
      %add3A_210 = arith.addi %mul3A_208, %add3A_209 : i32
      %add3A_211 = vector.broadcast %add3A_210 : i32 to vector<16xi32>
      %add3A_212 = arith.addi %mul3A_17, %add3A_211 : vector<16xi32>
      %gather3A_213 = tpu.vector_load_idx %arg7[%add3A_212] : memref<10000xi32, #tpu.memory_space<vmem>>[vector<16xi32>], vector<16xi32>,
      %gather3A_214 = tpu.vector_load_idx %arg6[%add3A_212] : memref<10000xf32, #tpu.memory_space<vmem>>[vector<16xi32>], vector<16xf32>,
      tpu.vector_store_idx %arg8[%gather3A_213], %gather3A_214 {add = true} : memref<10240xf32, #tpu.memory_space<vmem>>[vector<16xi32>], vector<16xf32>,
      %mul3A_215 = arith.constant 25 : i32
      %mul3A_216 = arith.muli %mul3A_215, %scan3A_55 : i32
      %add3A_217 = arith.constant 20 : i32
      %add3A_218 = arith.addi %mul3A_216, %add3A_217 : i32
      %add3A_219 = vector.broadcast %add3A_218 : i32 to vector<16xi32>
      %add3A_220 = arith.addi %mul3A_17, %add3A_219 : vector<16xi32>
      %gather3A_221 = tpu.vector_load_idx %arg7[%add3A_220] : memref<10000xi32, #tpu.memory_space<vmem>>[vector<16xi32>], vector<16xi32>,
      %gather3A_222 = tpu.vector_load_idx %arg6[%add3A_220] : memref<10000xf32, #tpu.memory_space<vmem>>[vector<16xi32>], vector<16xf32>,
      tpu.vector_store_idx %arg8[%gather3A_221], %gather3A_222 {add = true} : memref<10240xf32, #tpu.memory_space<vmem>>[vector<16xi32>], vector<16xf32>,
      %mul3A_223 = arith.constant 25 : i32
      %mul3A_224 = arith.muli %mul3A_223, %scan3A_55 : i32
      %add3A_225 = arith.constant 21 : i32
      %add3A_226 = arith.addi %mul3A_224, %add3A_225 : i32
      %add3A_227 = vector.broadcast %add3A_226 : i32 to vector<16xi32>
      %add3A_228 = arith.addi %mul3A_17, %add3A_227 : vector<16xi32>
      %gather3A_229 = tpu.vector_load_idx %arg7[%add3A_228] : memref<10000xi32, #tpu.memory_space<vmem>>[vector<16xi32>], vector<16xi32>,
      %gather3A_230 = tpu.vector_load_idx %arg6[%add3A_228] : memref<10000xf32, #tpu.memory_space<vmem>>[vector<16xi32>], vector<16xf32>,
      tpu.vector_store_idx %arg8[%gather3A_229], %gather3A_230 {add = true} : memref<10240xf32, #tpu.memory_space<vmem>>[vector<16xi32>], vector<16xf32>,
      %mul3A_231 = arith.constant 25 : i32
      %mul3A_232 = arith.muli %mul3A_231, %scan3A_55 : i32
      %add3A_233 = arith.constant 22 : i32
      %add3A_234 = arith.addi %mul3A_232, %add3A_233 : i32
      %add3A_235 = vector.broadcast %add3A_234 : i32 to vector<16xi32>
      %add3A_236 = arith.addi %mul3A_17, %add3A_235 : vector<16xi32>
      %gather3A_237 = tpu.vector_load_idx %arg7[%add3A_236] : memref<10000xi32, #tpu.memory_space<vmem>>[vector<16xi32>], vector<16xi32>,
      %gather3A_238 = tpu.vector_load_idx %arg6[%add3A_236] : memref<10000xf32, #tpu.memory_space<vmem>>[vector<16xi32>], vector<16xf32>,
      tpu.vector_store_idx %arg8[%gather3A_237], %gather3A_238 {add = true} : memref<10240xf32, #tpu.memory_space<vmem>>[vector<16xi32>], vector<16xf32>,
      %mul3A_239 = arith.constant 25 : i32
      %mul3A_240 = arith.muli %mul3A_239, %scan3A_55 : i32
      %add3A_241 = arith.constant 23 : i32
      %add3A_242 = arith.addi %mul3A_240, %add3A_241 : i32
      %add3A_243 = vector.broadcast %add3A_242 : i32 to vector<16xi32>
      %add3A_244 = arith.addi %mul3A_17, %add3A_243 : vector<16xi32>
      %gather3A_245 = tpu.vector_load_idx %arg7[%add3A_244] : memref<10000xi32, #tpu.memory_space<vmem>>[vector<16xi32>], vector<16xi32>,
      %gather3A_246 = tpu.vector_load_idx %arg6[%add3A_244] : memref<10000xf32, #tpu.memory_space<vmem>>[vector<16xi32>], vector<16xf32>,
      tpu.vector_store_idx %arg8[%gather3A_245], %gather3A_246 {add = true} : memref<10240xf32, #tpu.memory_space<vmem>>[vector<16xi32>], vector<16xf32>,
      %mul3A_247 = arith.constant 25 : i32
      %mul3A_248 = arith.muli %mul3A_247, %scan3A_55 : i32
      %add3A_249 = arith.constant 24 : i32
      %add3A_250 = arith.addi %mul3A_248, %add3A_249 : i32
      %add3A_251 = vector.broadcast %add3A_250 : i32 to vector<16xi32>
      %add3A_252 = arith.addi %mul3A_17, %add3A_251 : vector<16xi32>
      %gather3A_253 = tpu.vector_load_idx %arg7[%add3A_252] : memref<10000xi32, #tpu.memory_space<vmem>>[vector<16xi32>], vector<16xi32>,
      %gather3A_254 = tpu.vector_load_idx %arg6[%add3A_252] : memref<10000xf32, #tpu.memory_space<vmem>>[vector<16xi32>], vector<16xf32>,
      tpu.vector_store_idx %arg8[%gather3A_253], %gather3A_254 {add = true} : memref<10240xf32, #tpu.memory_space<vmem>>[vector<16xi32>], vector<16xf32>,
      %scan3A_255 = arith.constant 0 : i32
      scf.yield %scan3A_255 : i32
    }
    %scan3A_24 = arith.constant 25 : i32
    "tpu.region"() ({
      %run_scoped3A = tpu.sem_alloc : memref<!tpu.dma_semaphore, #tpu.memory_space<semaphore_mem>>
      %dma_start3A_55 = arith.constant 0 : i32
      %dma_start3A_56 = tpu.memref_slice %arg12[%arg1, %dma_start3A_55] : memref<16x10240xf32, #tpu.memory_space<vmem_shared>> -> memref<1x10240xf32, #tpu.memory_space<vmem_shared>>
      %dma_start3A_57 = tpu.memref_squeeze %dma_start3A_56 : memref<1x10240xf32, #tpu.memory_space<vmem_shared>> -> memref<10240xf32, #tpu.memory_space<vmem_shared>>
      %dma_start3A_58 = arith.constant 0 : i32
      %dma_start3A_59 = tpu.memref_slice %arg12[%arg1, %dma_start3A_58] : memref<16x10240xf32, #tpu.memory_space<vmem_shared>> -> memref<1x10240xf32, #tpu.memory_space<vmem_shared>>
      %dma_start3A_60 = tpu.memref_squeeze %dma_start3A_59 : memref<1x10240xf32, #tpu.memory_space<vmem_shared>> -> memref<10240xf32, #tpu.memory_space<vmem_shared>>
      tpu.enqueue_dma source(%arg8 : memref<10240xf32, #tpu.memory_space<vmem>>) target(%dma_start3A_60 : memref<10240xf32, #tpu.memory_space<vmem_shared>>) target_semaphore(%run_scoped3A : memref<!tpu.dma_semaphore, #tpu.memory_space<semaphore_mem>>)
      %dma_wait3A_61 = arith.constant 0 : i32
      %dma_wait3A_62 = tpu.memref_slice %arg12[%arg1, %dma_wait3A_61] : memref<16x10240xf32, #tpu.memory_space<vmem_shared>> -> memref<1x10240xf32, #tpu.memory_space<vmem_shared>>
      %dma_wait3A_63 = tpu.memref_squeeze %dma_wait3A_62 : memref<1x10240xf32, #tpu.memory_space<vmem_shared>> -> memref<10240xf32, #tpu.memory_space<vmem_shared>>
      %dma_wait3A_64 = arith.constant 0 : i32
      %dma_wait3A_65 = tpu.memref_slice %arg12[%arg1, %dma_wait3A_64] : memref<16x10240xf32, #tpu.memory_space<vmem_shared>> -> memref<1x10240xf32, #tpu.memory_space<vmem_shared>>
      %dma_wait3A_66 = tpu.memref_squeeze %dma_wait3A_65 : memref<1x10240xf32, #tpu.memory_space<vmem_shared>> -> memref<10240xf32, #tpu.memory_space<vmem_shared>>
      tpu.wait_dma2 semaphore(%run_scoped3A : memref<!tpu.dma_semaphore, #tpu.memory_space<semaphore_mem>>) src(%arg8 : memref<10240xf32, #tpu.memory_space<vmem>>) dst(%dma_wait3A_66 : memref<10240xf32, #tpu.memory_space<vmem_shared>>)
      tpu.yield
    }) : () -> ()
    %barrier3A = arith.constant 0 : index
    tpu.barrier barrier_id(%barrier3A)
    %mul3A_25 = arith.constant 640 : i32
    %mul3A_26 = arith.muli %arg1, %mul3A_25 : i32
    "tpu.region"() ({
      %run_scoped3A = tpu.sem_alloc : memref<!tpu.dma_semaphore, #tpu.memory_space<semaphore_mem>>
      %dma_start3A_55 = arith.constant 0 : i32
      %dma_start3A_56 = tpu.memref_slice %arg12[%dma_start3A_55, %mul3A_26] : memref<16x10240xf32, #tpu.memory_space<vmem_shared>> -> memref<16x640xf32, #tpu.memory_space<vmem_shared>>
      %dma_start3A_57 = arith.constant 0 : i32
      %dma_start3A_58 = tpu.memref_slice %arg12[%dma_start3A_57, %mul3A_26] : memref<16x10240xf32, #tpu.memory_space<vmem_shared>> -> memref<16x640xf32, #tpu.memory_space<vmem_shared>>
      tpu.enqueue_dma source(%dma_start3A_58 : memref<16x640xf32, #tpu.memory_space<vmem_shared>>) target(%arg9 : memref<16x640xf32, #tpu.memory_space<vmem>>) target_semaphore(%run_scoped3A : memref<!tpu.dma_semaphore, #tpu.memory_space<semaphore_mem>>)
      %dma_wait3A_59 = arith.constant 0 : i32
      %dma_wait3A_60 = tpu.memref_slice %arg12[%dma_wait3A_59, %mul3A_26] : memref<16x10240xf32, #tpu.memory_space<vmem_shared>> -> memref<16x640xf32, #tpu.memory_space<vmem_shared>>
      %dma_wait3A_61 = arith.constant 0 : i32
      %dma_wait3A_62 = tpu.memref_slice %arg12[%dma_wait3A_61, %mul3A_26] : memref<16x10240xf32, #tpu.memory_space<vmem_shared>> -> memref<16x640xf32, #tpu.memory_space<vmem_shared>>
      tpu.wait_dma2 semaphore(%run_scoped3A : memref<!tpu.dma_semaphore, #tpu.memory_space<semaphore_mem>>) src(%dma_wait3A_62 : memref<16x640xf32, #tpu.memory_space<vmem_shared>>) dst(%arg9 : memref<16x640xf32, #tpu.memory_space<vmem>>)
      tpu.yield
    }) : () -> ()
    tpu.wait_dma2 semaphore(%arg15 : memref<!tpu.dma_semaphore, #tpu.memory_space<semaphore_mem>>) src(%arg4 : memref<16xf32, #tpu.memory_space<hbm>>) dst(%arg11 : memref<16xf32, #tpu.memory_space<vmem>>)
    %scan3A_27 = arith.constant 0 : i32
    %scan3A_28 = arith.constant 0 : i32
    %scan3A_29 = arith.constant 40 : i32
    %scan3A_30 = arith.addi %scan3A_28, %scan3A_29 : i32
    %scan3A_31 = arith.constant 1 : i32
    %scan3A_32 = scf.for %scan3A_55 = %scan3A_28 to %scan3A_30 step %scan3A_31 iter_args(%scan3A_56 = %scan3A_27) -> (i32)  : i32 {
      %get3A = arith.constant 0 : index
      %get3A_57 = tpu.vector_load %arg11[%get3A] {strides = array<i32>} : memref<16xf32, #tpu.memory_space<vmem>>, vector<16xf32>,
      %mul3A_58 = arith.constant 16 : i32
      %mul3A_59 = arith.muli %scan3A_55, %mul3A_58 : i32
      %get3A_60 = arith.constant 0 : i32
      %get3A_61 = arith.index_cast %get3A_60 : i32 to index
      %get3A_62 = arith.index_cast %mul3A_59 : i32 to index
      %get3A_63 = tpu.vector_load %arg9[%get3A_61, %get3A_62] {strides = array<i32>} : memref<16x640xf32, #tpu.memory_space<vmem>>, vector<16xf32>,
      %add3A = arith.addf %get3A_57, %get3A_63 : vector<16xf32>
      %mul3A_64 = arith.constant 16 : i32
      %mul3A_65 = arith.muli %scan3A_55, %mul3A_64 : i32
      %get3A_66 = arith.constant 1 : i32
      %get3A_67 = arith.index_cast %get3A_66 : i32 to index
      %get3A_68 = arith.index_cast %mul3A_65 : i32 to index
      %get3A_69 = tpu.vector_load %arg9[%get3A_67, %get3A_68] {strides = array<i32>} : memref<16x640xf32, #tpu.memory_space<vmem>>, vector<16xf32>,
      %add3A_70 = arith.addf %add3A, %get3A_69 : vector<16xf32>
      %mul3A_71 = arith.constant 16 : i32
      %mul3A_72 = arith.muli %scan3A_55, %mul3A_71 : i32
      %get3A_73 = arith.constant 2 : i32
      %get3A_74 = arith.index_cast %get3A_73 : i32 to index
      %get3A_75 = arith.index_cast %mul3A_72 : i32 to index
      %get3A_76 = tpu.vector_load %arg9[%get3A_74, %get3A_75] {strides = array<i32>} : memref<16x640xf32, #tpu.memory_space<vmem>>, vector<16xf32>,
      %add3A_77 = arith.addf %add3A_70, %get3A_76 : vector<16xf32>
      %mul3A_78 = arith.constant 16 : i32
      %mul3A_79 = arith.muli %scan3A_55, %mul3A_78 : i32
      %get3A_80 = arith.constant 3 : i32
      %get3A_81 = arith.index_cast %get3A_80 : i32 to index
      %get3A_82 = arith.index_cast %mul3A_79 : i32 to index
      %get3A_83 = tpu.vector_load %arg9[%get3A_81, %get3A_82] {strides = array<i32>} : memref<16x640xf32, #tpu.memory_space<vmem>>, vector<16xf32>,
      %add3A_84 = arith.addf %add3A_77, %get3A_83 : vector<16xf32>
      %mul3A_85 = arith.constant 16 : i32
      %mul3A_86 = arith.muli %scan3A_55, %mul3A_85 : i32
      %get3A_87 = arith.constant 4 : i32
      %get3A_88 = arith.index_cast %get3A_87 : i32 to index
      %get3A_89 = arith.index_cast %mul3A_86 : i32 to index
      %get3A_90 = tpu.vector_load %arg9[%get3A_88, %get3A_89] {strides = array<i32>} : memref<16x640xf32, #tpu.memory_space<vmem>>, vector<16xf32>,
      %add3A_91 = arith.addf %add3A_84, %get3A_90 : vector<16xf32>
      %mul3A_92 = arith.constant 16 : i32
      %mul3A_93 = arith.muli %scan3A_55, %mul3A_92 : i32
      %get3A_94 = arith.constant 5 : i32
      %get3A_95 = arith.index_cast %get3A_94 : i32 to index
      %get3A_96 = arith.index_cast %mul3A_93 : i32 to index
      %get3A_97 = tpu.vector_load %arg9[%get3A_95, %get3A_96] {strides = array<i32>} : memref<16x640xf32, #tpu.memory_space<vmem>>, vector<16xf32>,
      %add3A_98 = arith.addf %add3A_91, %get3A_97 : vector<16xf32>
      %mul3A_99 = arith.constant 16 : i32
      %mul3A_100 = arith.muli %scan3A_55, %mul3A_99 : i32
      %get3A_101 = arith.constant 6 : i32
      %get3A_102 = arith.index_cast %get3A_101 : i32 to index
      %get3A_103 = arith.index_cast %mul3A_100 : i32 to index
      %get3A_104 = tpu.vector_load %arg9[%get3A_102, %get3A_103] {strides = array<i32>} : memref<16x640xf32, #tpu.memory_space<vmem>>, vector<16xf32>,
      %add3A_105 = arith.addf %add3A_98, %get3A_104 : vector<16xf32>
      %mul3A_106 = arith.constant 16 : i32
      %mul3A_107 = arith.muli %scan3A_55, %mul3A_106 : i32
      %get3A_108 = arith.constant 7 : i32
      %get3A_109 = arith.index_cast %get3A_108 : i32 to index
      %get3A_110 = arith.index_cast %mul3A_107 : i32 to index
      %get3A_111 = tpu.vector_load %arg9[%get3A_109, %get3A_110] {strides = array<i32>} : memref<16x640xf32, #tpu.memory_space<vmem>>, vector<16xf32>,
      %add3A_112 = arith.addf %add3A_105, %get3A_111 : vector<16xf32>
      %mul3A_113 = arith.constant 16 : i32
      %mul3A_114 = arith.muli %scan3A_55, %mul3A_113 : i32
      %get3A_115 = arith.constant 8 : i32
      %get3A_116 = arith.index_cast %get3A_115 : i32 to index
      %get3A_117 = arith.index_cast %mul3A_114 : i32 to index
      %get3A_118 = tpu.vector_load %arg9[%get3A_116, %get3A_117] {strides = array<i32>} : memref<16x640xf32, #tpu.memory_space<vmem>>, vector<16xf32>,
      %add3A_119 = arith.addf %add3A_112, %get3A_118 : vector<16xf32>
      %mul3A_120 = arith.constant 16 : i32
      %mul3A_121 = arith.muli %scan3A_55, %mul3A_120 : i32
      %get3A_122 = arith.constant 9 : i32
      %get3A_123 = arith.index_cast %get3A_122 : i32 to index
      %get3A_124 = arith.index_cast %mul3A_121 : i32 to index
      %get3A_125 = tpu.vector_load %arg9[%get3A_123, %get3A_124] {strides = array<i32>} : memref<16x640xf32, #tpu.memory_space<vmem>>, vector<16xf32>,
      %add3A_126 = arith.addf %add3A_119, %get3A_125 : vector<16xf32>
      %mul3A_127 = arith.constant 16 : i32
      %mul3A_128 = arith.muli %scan3A_55, %mul3A_127 : i32
      %get3A_129 = arith.constant 10 : i32
      %get3A_130 = arith.index_cast %get3A_129 : i32 to index
      %get3A_131 = arith.index_cast %mul3A_128 : i32 to index
      %get3A_132 = tpu.vector_load %arg9[%get3A_130, %get3A_131] {strides = array<i32>} : memref<16x640xf32, #tpu.memory_space<vmem>>, vector<16xf32>,
      %add3A_133 = arith.addf %add3A_126, %get3A_132 : vector<16xf32>
      %mul3A_134 = arith.constant 16 : i32
      %mul3A_135 = arith.muli %scan3A_55, %mul3A_134 : i32
      %get3A_136 = arith.constant 11 : i32
      %get3A_137 = arith.index_cast %get3A_136 : i32 to index
      %get3A_138 = arith.index_cast %mul3A_135 : i32 to index
      %get3A_139 = tpu.vector_load %arg9[%get3A_137, %get3A_138] {strides = array<i32>} : memref<16x640xf32, #tpu.memory_space<vmem>>, vector<16xf32>,
      %add3A_140 = arith.addf %add3A_133, %get3A_139 : vector<16xf32>
      %mul3A_141 = arith.constant 16 : i32
      %mul3A_142 = arith.muli %scan3A_55, %mul3A_141 : i32
      %get3A_143 = arith.constant 12 : i32
      %get3A_144 = arith.index_cast %get3A_143 : i32 to index
      %get3A_145 = arith.index_cast %mul3A_142 : i32 to index
      %get3A_146 = tpu.vector_load %arg9[%get3A_144, %get3A_145] {strides = array<i32>} : memref<16x640xf32, #tpu.memory_space<vmem>>, vector<16xf32>,
      %add3A_147 = arith.addf %add3A_140, %get3A_146 : vector<16xf32>
      %mul3A_148 = arith.constant 16 : i32
      %mul3A_149 = arith.muli %scan3A_55, %mul3A_148 : i32
      %get3A_150 = arith.constant 13 : i32
      %get3A_151 = arith.index_cast %get3A_150 : i32 to index
      %get3A_152 = arith.index_cast %mul3A_149 : i32 to index
      %get3A_153 = tpu.vector_load %arg9[%get3A_151, %get3A_152] {strides = array<i32>} : memref<16x640xf32, #tpu.memory_space<vmem>>, vector<16xf32>,
      %add3A_154 = arith.addf %add3A_147, %get3A_153 : vector<16xf32>
      %mul3A_155 = arith.constant 16 : i32
      %mul3A_156 = arith.muli %scan3A_55, %mul3A_155 : i32
      %get3A_157 = arith.constant 14 : i32
      %get3A_158 = arith.index_cast %get3A_157 : i32 to index
      %get3A_159 = arith.index_cast %mul3A_156 : i32 to index
      %get3A_160 = tpu.vector_load %arg9[%get3A_158, %get3A_159] {strides = array<i32>} : memref<16x640xf32, #tpu.memory_space<vmem>>, vector<16xf32>,
      %add3A_161 = arith.addf %add3A_154, %get3A_160 : vector<16xf32>
      %mul3A_162 = arith.constant 16 : i32
      %mul3A_163 = arith.muli %scan3A_55, %mul3A_162 : i32
      %get3A_164 = arith.constant 15 : i32
      %get3A_165 = arith.index_cast %get3A_164 : i32 to index
      %get3A_166 = arith.index_cast %mul3A_163 : i32 to index
      %get3A_167 = tpu.vector_load %arg9[%get3A_165, %get3A_166] {strides = array<i32>} : memref<16x640xf32, #tpu.memory_space<vmem>>, vector<16xf32>,
      %add3A_168 = arith.addf %add3A_161, %get3A_167 : vector<16xf32>
      %mul3A_169 = arith.constant 16 : i32
      %mul3A_170 = arith.muli %scan3A_55, %mul3A_169 : i32
      %swap3A = arith.index_cast %mul3A_170 : i32 to index
      %swap3A_171 = tpu.vector_load %arg10[%swap3A] {strides = array<i32>} : memref<640xf32, #tpu.memory_space<vmem>>, vector<16xf32>,
      tpu.vector_store %arg10[%swap3A], %add3A_168 {strides = array<i32>} : memref<640xf32, #tpu.memory_space<vmem>>, vector<16xf32>,
      %scan3A_172 = arith.constant 0 : i32
      scf.yield %scan3A_172 : i32
    }
    %scan3A_33 = arith.constant 40 : i32
    %eq3A = arith.constant 0 : i32
    %eq3A_34 = arith.cmpi eq, %arg0, %eq3A : i32
    %lt3A = arith.constant 8 : i32
    %lt3A_35 = arith.cmpi slt, %arg1, %lt3A : i32
    %and3A = arith.andi %eq3A_34, %lt3A_35 : i1
    %convert_element_type3A = arith.extui %and3A : i1 to i32
    %cond3A = arith.constant 0 : i32
    %cond3A_36 = arith.cmpi ne, %convert_element_type3A, %cond3A : i32
    scf.if %cond3A_36 {
      %mul3A_55 = arith.constant 640 : i32
      %mul3A_56 = arith.muli %arg1, %mul3A_55 : i32
      "tpu.region"() ({
        %run_scoped3A = tpu.sem_alloc : memref<!tpu.dma_semaphore, #tpu.memory_space<semaphore_mem>>
        %dma_start3A_57 = tpu.memref_slice %arg5[%mul3A_56] : memref<10000xf32, #tpu.memory_space<hbm>> -> memref<640xf32, #tpu.memory_space<hbm>>
        %dma_start3A_58 = tpu.memref_slice %arg5[%mul3A_56] : memref<10000xf32, #tpu.memory_space<hbm>> -> memref<640xf32, #tpu.memory_space<hbm>>
        tpu.enqueue_dma source(%arg10 : memref<640xf32, #tpu.memory_space<vmem>>) target(%dma_start3A_58 : memref<640xf32, #tpu.memory_space<hbm>>) target_semaphore(%run_scoped3A : memref<!tpu.dma_semaphore, #tpu.memory_space<semaphore_mem>>)
        %dma_wait3A_59 = tpu.memref_slice %arg5[%mul3A_56] : memref<10000xf32, #tpu.memory_space<hbm>> -> memref<640xf32, #tpu.memory_space<hbm>>
        %dma_wait3A_60 = tpu.memref_slice %arg5[%mul3A_56] : memref<10000xf32, #tpu.memory_space<hbm>> -> memref<640xf32, #tpu.memory_space<hbm>>
        tpu.wait_dma2 semaphore(%run_scoped3A : memref<!tpu.dma_semaphore, #tpu.memory_space<semaphore_mem>>) src(%arg10 : memref<640xf32, #tpu.memory_space<vmem>>) dst(%dma_wait3A_60 : memref<640xf32, #tpu.memory_space<hbm>>)
        tpu.yield
      }) : () -> ()
    } else {
    }
    %eq3A_37 = arith.constant 1 : i32
    %eq3A_38 = arith.cmpi eq, %arg0, %eq3A_37 : i32
    %ge3A = arith.constant 8 : i32
    %ge3A_39 = arith.cmpi sge, %arg1, %ge3A : i32
    %lt3A_40 = arith.constant 15 : i32
    %lt3A_41 = arith.cmpi slt, %arg1, %lt3A_40 : i32
    %and3A_42 = arith.andi %ge3A_39, %lt3A_41 : i1
    %and3A_43 = arith.andi %eq3A_38, %and3A_42 : i1
    %convert_element_type3A_44 = arith.extui %and3A_43 : i1 to i32
    %cond3A_45 = arith.constant 0 : i32
    %cond3A_46 = arith.cmpi ne, %convert_element_type3A_44, %cond3A_45 : i32
    scf.if %cond3A_46 {
      %mul3A_55 = arith.constant 640 : i32
      %mul3A_56 = arith.muli %arg1, %mul3A_55 : i32
      "tpu.region"() ({
        %run_scoped3A = tpu.sem_alloc : memref<!tpu.dma_semaphore, #tpu.memory_space<semaphore_mem>>
        %dma_start3A_57 = tpu.memref_slice %arg5[%mul3A_56] : memref<10000xf32, #tpu.memory_space<hbm>> -> memref<640xf32, #tpu.memory_space<hbm>>
        %dma_start3A_58 = tpu.memref_slice %arg5[%mul3A_56] : memref<10000xf32, #tpu.memory_space<hbm>> -> memref<640xf32, #tpu.memory_space<hbm>>
        tpu.enqueue_dma source(%arg10 : memref<640xf32, #tpu.memory_space<vmem>>) target(%dma_start3A_58 : memref<640xf32, #tpu.memory_space<hbm>>) target_semaphore(%run_scoped3A : memref<!tpu.dma_semaphore, #tpu.memory_space<semaphore_mem>>)
        %dma_wait3A_59 = tpu.memref_slice %arg5[%mul3A_56] : memref<10000xf32, #tpu.memory_space<hbm>> -> memref<640xf32, #tpu.memory_space<hbm>>
        %dma_wait3A_60 = tpu.memref_slice %arg5[%mul3A_56] : memref<10000xf32, #tpu.memory_space<hbm>> -> memref<640xf32, #tpu.memory_space<hbm>>
        tpu.wait_dma2 semaphore(%run_scoped3A : memref<!tpu.dma_semaphore, #tpu.memory_space<semaphore_mem>>) src(%arg10 : memref<640xf32, #tpu.memory_space<vmem>>) dst(%dma_wait3A_60 : memref<640xf32, #tpu.memory_space<hbm>>)
        tpu.yield
      }) : () -> ()
    } else {
    }
    %eq3A_47 = arith.constant 1 : i32
    %eq3A_48 = arith.cmpi eq, %arg0, %eq3A_47 : i32
    %eq3A_49 = arith.constant 15 : i32
    %eq3A_50 = arith.cmpi eq, %arg1, %eq3A_49 : i32
    %and3A_51 = arith.andi %eq3A_48, %eq3A_50 : i1
    %convert_element_type3A_52 = arith.extui %and3A_51 : i1 to i32
    %cond3A_53 = arith.constant 0 : i32
    %cond3A_54 = arith.cmpi ne, %convert_element_type3A_52, %cond3A_53 : i32
    scf.if %cond3A_54 {
      "tpu.region"() ({
        %run_scoped3A = tpu.sem_alloc : memref<!tpu.dma_semaphore, #tpu.memory_space<semaphore_mem>>
        %dma_start3A_55 = arith.constant 0 : i32
        %dma_start3A_56 = tpu.memref_slice %arg10[%dma_start3A_55] : memref<640xf32, #tpu.memory_space<vmem>> -> memref<400xf32, #tpu.memory_space<vmem>>
        %dma_start3A_57 = arith.constant 9600 : i32
        %dma_start3A_58 = tpu.memref_slice %arg5[%dma_start3A_57] : memref<10000xf32, #tpu.memory_space<hbm>> -> memref<400xf32, #tpu.memory_space<hbm>>
        %dma_start3A_59 = arith.constant 9600 : i32
        %dma_start3A_60 = tpu.memref_slice %arg5[%dma_start3A_59] : memref<10000xf32, #tpu.memory_space<hbm>> -> memref<400xf32, #tpu.memory_space<hbm>>
        %dma_start3A_61 = arith.constant 0 : i32
        %dma_start3A_62 = tpu.memref_slice %arg10[%dma_start3A_61] : memref<640xf32, #tpu.memory_space<vmem>> -> memref<400xf32, #tpu.memory_space<vmem>>
        tpu.enqueue_dma source(%dma_start3A_62 : memref<400xf32, #tpu.memory_space<vmem>>) target(%dma_start3A_60 : memref<400xf32, #tpu.memory_space<hbm>>) target_semaphore(%run_scoped3A : memref<!tpu.dma_semaphore, #tpu.memory_space<semaphore_mem>>)
        %dma_wait3A_63 = arith.constant 0 : i32
        %dma_wait3A_64 = tpu.memref_slice %arg10[%dma_wait3A_63] : memref<640xf32, #tpu.memory_space<vmem>> -> memref<400xf32, #tpu.memory_space<vmem>>
        %dma_wait3A_65 = arith.constant 9600 : i32
        %dma_wait3A_66 = tpu.memref_slice %arg5[%dma_wait3A_65] : memref<10000xf32, #tpu.memory_space<hbm>> -> memref<400xf32, #tpu.memory_space<hbm>>
        %dma_wait3A_67 = arith.constant 9600 : i32
        %dma_wait3A_68 = tpu.memref_slice %arg5[%dma_wait3A_67] : memref<10000xf32, #tpu.memory_space<hbm>> -> memref<400xf32, #tpu.memory_space<hbm>>
        %dma_wait3A_69 = arith.constant 0 : i32
        %dma_wait3A_70 = tpu.memref_slice %arg10[%dma_wait3A_69] : memref<640xf32, #tpu.memory_space<vmem>> -> memref<400xf32, #tpu.memory_space<vmem>>
        tpu.wait_dma2 semaphore(%run_scoped3A : memref<!tpu.dma_semaphore, #tpu.memory_space<semaphore_mem>>) src(%dma_wait3A_70 : memref<400xf32, #tpu.memory_space<vmem>>) dst(%dma_wait3A_68 : memref<400xf32, #tpu.memory_space<hbm>>)
        tpu.yield
      }) : () -> ()
    } else {
    }
    return
  }
}

module attributes {stable_mosaic.version = 14 : i64} {
  func.func @_matvec_body(%arg0: i32, %arg1: memref<8192x256xf32, #tpu.memory_space<vmem>>, %arg2: memref<1x256xf32, #tpu.memory_space<vmem>>, %arg3: memref<64x128xf32, #tpu.memory_space<vmem>>) attributes {dimension_semantics = [#tpu.dimension_semantics<arbitrary>], iteration_bounds = array<i64: 20>, scalar_prefetch = 0 : i64, scratch_operands = 0 : i64, tpu.core_type = #tpu.core_type<tc>, window_params = [{transform_indices = @transform_0, window_bounds = array<i64: 8192, 256>}, {pipeline_mode = #tpu.pipeline_mode<synchronous>, transform_indices = @transform_1, window_bounds = array<i64: 1, 256>}, {transform_indices = @transform_2, window_bounds = array<i64: 64, 128>}]} {
    %get3A = arith.constant 0 : index
    %get3A_0 = arith.constant 0 : index
    %get3A_1 = vector.load %arg1[%get3A, %get3A_0] : memref<8192x256xf32, #tpu.memory_space<vmem>>, vector<8192x256xf32>
    %get3A_2 = arith.constant 0 : index
    %get3A_3 = arith.constant 0 : index
    %get3A_4 = vector.load %arg2[%get3A_2, %get3A_3] : memref<1x256xf32, #tpu.memory_space<vmem>>, vector<1x256xf32>
    %mul3A = vector.broadcast %get3A_4 : vector<1x256xf32> to vector<8192x256xf32>
    %mul3A_5 = arith.mulf %get3A_1, %mul3A : vector<8192x256xf32>
    %reduce_sum3A = arith.constant dense<0.000000e+00> : vector<8192xf32>
    %reduce_sum3A_6 = vector.multi_reduction <add>, %mul3A_5, %reduce_sum3A [1] : vector<8192x256xf32> to vector<8192xf32>
    %reshape3A = vector.shape_cast %reduce_sum3A_6 : vector<8192xf32> to vector<64x128xf32>
    %swap3A = arith.constant 0 : index
    %swap3A_7 = arith.constant 0 : index
    %swap3A_8 = vector.load %arg3[%swap3A, %swap3A_7] : memref<64x128xf32, #tpu.memory_space<vmem>>, vector<64x128xf32>
    tpu.vector_store %arg3[%swap3A, %swap3A_7], %reshape3A {strides = array<i32>} : memref<64x128xf32, #tpu.memory_space<vmem>>, vector<64x128xf32>,
    return
  }
  func.func @transform_0(%arg0: i32) -> (i32, i32) {
    %c0_i32 = arith.constant 0 : i32
    %c0_i32_0 = arith.constant 0 : i32
    return %arg0, %c0_i32 : i32, i32
  }
  func.func @transform_1(%arg0: i32) -> (i32, i32) {
    %c0_i32 = arith.constant 0 : i32
    %c0_i32_0 = arith.constant 0 : i32
    %c0_i32_1 = arith.constant 0 : i32
    return %c0_i32, %c0_i32_0 : i32, i32
  }
  func.func @transform_2(%arg0: i32) -> (i32, i32) {
    %c0_i32 = arith.constant 0 : i32
    %c0_i32_0 = arith.constant 0 : i32
    return %arg0, %c0_i32 : i32, i32
  }
}

</mosaic_0001>

<sc_bundles>
// kernel: kernel.4.cloned.1.call-start
scs
__scs_entry_jumppad:
0x0: {  	(pc) =	sbr.rel $0x88, $3  }
0x1: {  	(tag) =	ssettag $0x0;
	lr =	simm.s32 $0x1  }
0x2: {  	[smem:$0x3F9D] =	sst lr;
	_ =	strace $0xD0000000  }
0x3: {  	_ = 	snop  }
0x4: {  	_ = 	snop  }
0x5: {  	_ = 	snop  }
0x6: {  	_ = 	snop  }
0x7: {  	_ = 	snop  }
__scs_overlays_trampoline_lowered:
0x8: {  	[smem:$0x3FAC] =	sst s0  }
0x9: {  	[smem:$0x3FAD] =	sst s1  }
0xa: {  	[smem:$0x3FAE] =	sst s2  }
0xb: {  	[smem:$0x3FAF] =	sst s3  }
0xc: {  	[smem:$0x3FB0] =	sst s4  }
0xd: {  	[smem:$0x3FB1] =	sst s5  }
0xe: {  	[smem:$0x3FB2] =	sst s6  }
0xf: {  	[smem:$0x3FB3] =	sst s7  }
0x10: {  	[smem:$0x3FB4] =	sst s8  }
0x11: {  	[smem:$0x3FB5] =	sst s9;
	s0 =	simm.s32 @!p0 $0x0  }
0x12: {  	s1 =	sld [smem:$0x3F9B];
	s0 =	simm.s32 @p0 $0x1  }
0x13: {  	[smem:$0x3FB6] =	sst s0;
	s0 =	simm.s32 @!p1 $0x0  }
0x14: {  	s2 =	sld [smem:$0x3F9A];
	s0 =	simm.s32 @p1 $0x1  }
0x15: {  	[smem:$0x3FB7] =	sst s0;
	s0 =	simm.s32 @!p2 $0x0  }
0x16: {  	s3 =	sld [smem:$0x3FDB];
	s0 =	simm.s32 @p2 $0x1  }
0x17: {  	s4 =	simm.s32 $0x1BF5;
	[smem:$0x3FB9] =	sst s0  }
0x18: {  	s0 =	sld [smem:$0x3F9C];
	_ =	swait.ge [sflag:s4], $0x0  }
0x19: {  	s7 =	sld [smem:$0x3F9D]  }
0x1a: {  	s8 =	sadd.s32 $0xFFFFE003, lr  }
0x1b: {  	s9 =	sadd.s32 $0xFFFFFEF7, lr;
	s5 =	simm.s32 $0xFFFFFFFF;
	p2 =	slt.u32 s8, $0xFFFFF086  }
0x1c: {  	p1 =	slt.u32 s9, $0xF7A;
	s5 =	simm.s32 @!p2 $0x0  }
0x1d: {  	s5 =	simm.s32 @p1 $0x1;
	p0 =	seq.s32 s7, s2  }
0x1e: {  	s7 =	smul.u32 @!p0 $0xF7A, s2;
	p2 =	seq.s32 @!p0 s5, $0x0  }
0x1f: {  	s9 =	smul.u32 $0xF7A, s1;
	s8 =	simm.s32 @!p0 $0x1BF5;
	p2 =	por !p2, p0  }
0x20: {  	[sflag:s8] =	ssyncset.s32 @!p0 $0xFFFFF086;
	s6 =	sadd.s32 @!p0 s3, s7;
	s7 =	simm.s32 @!p0 $0x108  }
0x21: {  	s3 =	sadd.s32 s3, s9;
	s6 =	sadd.s32 @!p0 $0x88, s6;
	s7 =	simm.s32 @p2 $0x1082  }
0x22: {  	[simem:s7], [sflag:s8] =	dma.local @!p0 [hbm:s6], $0xF7A  }
0x23: {  	s9 =	sor.u32 $0xD0000000, s2;
	s6 =	simm.s32 $0x108;
	_ =	swait.ge @!p0 [sflag:s8], $0x0  }
0x24: {  	s3 =	sadd.s32 $0x88, s3;
	s6 =	simm.s32 @!p1 $0x1082;
	[sflag:s4] =	ssyncset.s32 $0xFFFFF086  }
0x25: {  	[simem:s6], [sflag:s4] =	dma.local [hbm:s3], $0xF7A  }
0x26: {  	[smem:$0x3F9D] =	sst s1;
	(tag) =	ssettag s2;
	_ =	strace s9  }
0x27: {  	s1 =	sld [smem:$0x3FAD]  }
0x28: {  	s2 =	sld [smem:$0x3FAE]  }
0x29: {  	s4 =	sld [smem:$0x3FB0]  }
0x2a: {  	p0 =	seq.s32 s5, $0x0;
	s5 =	sld [smem:$0x3FB1]  }
0x2b: {  	s6 =	sld [smem:$0x3FB2]  }
0x2c: {  	s7 =	sld [smem:$0x3FB3]  }
0x2d: {  	s3 =	simm.s32 $0x108;
	s8 =	sld [smem:$0x3FB4]  }
0x2e: {  	s3 =	simm.s32 @!p0 $0x1082;
	s9 =	sld [smem:$0x3FB5]  }
0x2f: {  	lr =	sadd.s32 s0, s3;
	s0 =	sld [smem:$0x3FAC]  }
0x30: {  	s3 =	sld [smem:$0x3FAF]  }
0x31: {  	[smem:$0x3FB8] =	sst s10  }
0x32: {  	s10 =	sld [smem:$0x3FB6];
	_ =	sdelay $0x3  }
0x33: {  	p0 =	seq.s32 s10, $0x1;
	s10 =	sld [smem:$0x3FB8];
	_ =	sdelay $0x3  }
0x34: {  	[smem:$0x3FB8] =	sst s10  }
0x35: {  	s10 =	sld [smem:$0x3FB7];
	_ =	sdelay $0x3  }
0x36: {  	p1 =	seq.s32 s10, $0x1;
	s10 =	sld [smem:$0x3FB8];
	_ =	sdelay $0x3  }
0x37: {  	[smem:$0x3FB8] =	sst s10  }
0x38: {  	s10 =	sld [smem:$0x3FB9]  }
0x39: {  	_ = 	snop;
	(pc) =	sbr.ind lr, $3  }
0x3a: {  	_ = 	snop  }
0x3b: {  	_ = 	snop  }
0x3c: {  	p2 =	seq.s32 s10, $0x1;
	s10 =	sld [smem:$0x3FB8]  }
0x3d: {  	_ =	shalt  }
0x3e: {  	_ =	shalt  }
0x3f: {  	_ =	shalt  }
0x40: {  	_ =	shalt  }
0x41: {  	_ =	shalt  }
0x42: {  	_ =	shalt  }
0x43: {  	_ =	shalt  }
0x44: {  	_ =	shalt  }
0x45: {  	_ =	shalt  }
0x46: {  	_ =	shalt  }
0x47: {  	_ =	shalt  }
0x48: {  	_ =	shalt  }
0x49: {  	_ =	shalt  }
0x4a: {  	_ =	shalt  }
0x4b: {  	_ =	shalt  }
0x4c: {  	_ =	shalt  }
0x4d: {  	_ =	shalt  }
0x4e: {  	_ =	shalt  }
0x4f: {  	_ =	shalt  }
0x50: {  	_ =	shalt  }
0x51: {  	_ =	shalt  }
0x52: {  	_ =	shalt  }
0x53: {  	_ =	shalt  }
0x54: {  	_ =	shalt  }
0x55: {  	_ =	shalt  }
0x56: {  	_ =	shalt  }
0x57: {  	_ =	shalt  }
0x58: {  	_ =	shalt  }
0x59: {  	_ =	shalt  }
0x5a: {  	_ =	shalt  }
0x5b: {  	_ =	shalt  }
0x5c: {  	_ =	shalt  }
0x5d: {  	_ =	shalt  }
0x5e: {  	_ =	shalt  }
0x5f: {  	_ =	shalt  }
0x60: {  	_ =	shalt  }
0x61: {  	_ =	shalt  }
0x62: {  	_ =	shalt  }
0x63: {  	_ =	shalt  }
0x64: {  	_ =	shalt  }
0x65: {  	_ =	shalt  }
0x66: {  	_ =	shalt  }
0x67: {  	_ =	shalt  }
0x68: {  	_ =	shalt  }
0x69: {  	_ =	shalt  }
0x6a: {  	_ =	shalt  }
0x6b: {  	_ =	shalt  }
0x6c: {  	_ =	shalt  }
0x6d: {  	_ =	shalt  }
0x6e: {  	_ =	shalt  }
0x6f: {  	_ =	shalt  }
0x70: {  	_ =	shalt  }
0x71: {  	_ =	shalt  }
0x72: {  	_ =	shalt  }
0x73: {  	_ =	shalt  }
0x74: {  	_ =	shalt  }
0x75: {  	_ =	shalt  }
0x76: {  	_ =	shalt  }
0x77: {  	_ =	shalt  }
0x78: {  	_ =	shalt  }
0x79: {  	_ =	shalt  }
0x7a: {  	_ =	shalt  }
0x7b: {  	_ =	shalt  }
0x7c: {  	_ =	shalt  }
0x7d: {  	_ =	shalt  }
0x7e: {  	_ =	shalt  }
0x7f: {  	_ =	shalt  }
0x80: {  	_ =	shalt  }
0x81: {  	_ =	shalt  }
0x82: {  	_ =	shalt  }
0x83: {  	_ =	shalt  }
0x84: {  	_ =	shalt  }
0x85: {  	_ =	shalt  }
0x86: {  	_ =	shalt  }
0x87: {  	_ =	shalt  }
.Lfunc_end0:
.L_simem_size_0:
called_computation_lowered:
.L_overlay_start_0:
0x88: {  	s2 =	sld [smem:$0x3FD9]  }
0x89: {  	s3 =	sld [smem:$0x3FFE];
	_ =	sdelay $0x1  }
0x8a: {  	s1 =	srdreg.scid  }
0x8b: {  	s0 =	sand.u32 $0x1, s1  }
0x8c: {  	s16 =	sshll.u32 s0, $0xA;
	s2 =	sadd.s32 s3, s2  }
0x8d: {  	s2 =	sadd.s32 s2, s16  }
0x8e: {  	[smem:$0x3FC4] =	sst s2  }
0x8f: {  	_ = 	snop  }
0x90: {  	(tm) =	ssettm $0x1  }
0x91: {  	s17 =	sld [smem:$0x3FFB];
	_ =	sdelay $0x3  }
0x92: {  	_ =	strace s17  }
0x93: {  	s2 =	sld [smem:$0x3FFC];
	_ =	sdelay $0x3  }
0x94: {  	_ =	strace s2  }
0x95: {  	s2 =	sld [smem:$0x3FFD];
	_ =	sdelay $0x3  }
0x96: {  	_ =	strace s2  }
0x97: {  	_ =	strace $0x8FFFFFFF  }
0x98: {  	s18 =	sld [smem:$0x3FDB];
	_ =	sdelay $0x1  }
0x99: {  	s19 =	simm.s32 $_scs_section_size  }
0x9a: {  	s4 =	simm.s32 $_size__tile_overlayer_lowered;
	s5 =	simm.s32 $_tile_overlayer_lowered  }
0x9b: {  	s22 =	simm.s32 $0x1BFF;
	s21 =	sshll.u32 s5, $0x1;
	s2 =	sadd.s32 s19, s18  }
0x9c: {  	s6 =	simm.s32 $0x0;
	s20 =	sshll.u32 s4, $0x1;
	s4 =	sadd.s32 s21, s2  }
0x9d: {  	[timem:s6], [sflag:s22] =	dma.local [hbm:s4], s20  }
0x9e: {  	_ =	swait.ge [sflag:s22], s20  }
0x9f: {  	s3 =	ssub.s32 $0x0, s20;
	[sflag:s22] =	ssyncset.done $0x0  }
0xa0: {  	[sflag:s22] =	ssyncadd.s32 s3;
	_ =	sdelay $0x1  }
0xa1: {  	s23 =	simm.s32 $0x1B8B  }
0xa2: {  	_ =	swait.ge [sflag:s23], $0x1  }
0xa3: {  	[sflag:s23] =	ssyncset.done $0x0  }
0xa4: {  	s25 =	simm.s32 $0x1B8E;
	s24 =	sld [smem:$0x3FFE];
	[sflag:s23] =	ssyncadd.s32 $0xFFFFFFFF  }
0xa5: {  	s26 =	simm.s32 $execute0_lowered;
	[smem:$0x3FD2] =	sst s25  }
0xa6: {  	s4 =	sshll.u32 s26, $0x1;
	_ =	strace $0x80000046;
	[dreg:$0x1] =	wrdreg $0xFFFFFFFF  }
0xa7: {  	s28 =	simm.s32 $_size_execute0_lowered;
	s2 =	sadd.s32 s2, s4;
	[dreg:$0x0] =	wrdreg $0x0  }
0xa8: {  	s4 =	sshll.u32 s28, $0x1;
	[dreg:$0x2] =	wrdreg s2  }
0xa9: {  	[dreg:$0x3] =	wrdreg s4  }
0xaa: {  	[dreg:$0x4] =	wrdreg $0xC0  }
0xab: {  	_ =	task [dreg:s6], $0x5FFFF  }
0xac: {  	[dreg:$0x1] =	wrdreg $0xFFFFFFFF  }
0xad: {  	[dreg:$0x0] =	wrdreg $0x60  }
0xae: {  	[dreg:$0x2] =	wrdreg s24  }
0xaf: {  	[dreg:$0x3] =	wrdreg $0xA2000  }
0xb0: {  	[dreg:$0x4] =	wrdreg $0x9  }
0xb1: {  	_ =	task.clear_ibuf [dreg:s6], $0x5FFFF;
	_ =	strace $0x90000046  }
0xb2: {  	s29 =	simm.s32 $0x9;
	_ =	strace $0x80000048  }
0xb3: {  	_ =	swait.ge [sflag:s29], $0x1  }
0xb4: {  	[sflag:s29] =	ssyncadd.s32 $0xFFFFFFFF  }
0xb5: {  	_ =	strace $0x90000048  }
0xb6: {  	_ =	sfence  }
0xb7: {  	s30 =	sld [smem:$0x0];
	_ =	sdelay $0x2  }
0xb8: {  	s31 =	sshll.u32 s1, $0xD;
	s1 =	sshrl.u32 s1, $0x2  }
0xb9: {  	s3 =	sand.u32 $0x4000, s31;
	s1 =	sadd.s32 s1, s30  }
0xba: {  	s0 =	sor.u32 s3, s0;
	s1 =	sshll.u32 s1, $0x11  }
0xbb: {  	s0 =	sor.u32 s1, s0  }
0xbc: {  	s0 =	sadd.s32 $0x8F2B, s0  }
0xbd: {  	[sflag:s0] =	ssyncadd.remote.s32 $0x1  }
0xbe: {  	_ =	sfence.sel $0xFFFF  }
0xbf: {  	[dreg:$0x0] =	wrdreg $0xFFFFFFFF;
	(pc) =	sbr.abs _section_cstart, $3  }
0xc0: {  	[dreg:$0x1] =	wrdreg $0xFFFFFFFF  }
0xc1: {  	_ =	task.clear_ibuf [dreg:s6], $0x2FFFF;
	_ =	strace $0x9FFFFFFF  }
0xc2: {  	(tm) =	ssettm $0x7FFFFFFF  }
0xc3: {  	_ =	shalt  }
tec
execute0_lowered:
.L_overlay_start_1:
0x0: {  	(tag) =	ssettag $0x1  }
0x1: {  	s8 =	rddreg [dreg:$0x0]  }
0x2: {  	s7 =	rddreg [dreg:$0x1]  }
0x3: {  	s0 =	rddreg [dreg:$0x2]  }
0x4: {  	s2 =	simm.s32 $0x0;
	s1 =	stileid.u32;
	s4 =	srdreg.scid  }
0x5: {  	s15 =	simm.s32 $0x4F00;
	s16 =	simm.s32 $0x80;
	s17 =	simm.s32 $0x400  }
0x6: {  	s18 =	simm.s32 $0x4;
	s19 =	simm.s32 $0x1400;
	s20 =	simm.s32 $0x14000  }
0x7: {  	s21 =	simm.s32 $0x7700;
	s22 =	simm.s32 $0x3;
	s3 =	smul.u32 $0x4E2, s1  }
0x8: {  	s23 =	simm.s32 $0x0;
	[smem:$0x7FF] =	sst s2;
	s5 =	smul.u32 $0x50, s1  }
0x9: {  	s9 =	sand.u32 $0x1, s4;
	s26 =	sshrl.u32 s1, $0x3;
	s29 =	sshll.u32 s1, $0x7  }
0xa: {  	s14 =	smul.u32 $0x5000, s1;
	p1 =	slt.u32 s1, $0x8;
	s31 =	sadd.s32 $0xFFFFFFF8, s1  }
0xb: {  	p3 =	seq.s32 s1, $0xF;
	_ =	strace $0x80000047;
	s10 =	ssub.s32 $0x2, s9  }
0xc: {  	s4 =	smul.u32 $0x50000, s26;
	s12 =	sand.u32 $0x380, s29;
	p0 =	seq.s32 s9, $0x0  }
0xd: {  	p6 =	seq.s32 s9, $0x1;
	p2 =	slt.u32 s31, $0x7;
	s6 =	sadd.s32 s3, s8  }
0xe: {  	s3 =	sadd.s32 $0xA600, s8;
	s11 =	sadd.s32 s5, s8;
	s28 =	sshrl.u32 s10, $0x1  }
0xf: {  	s30 =	sshrl.u32 s14, $0x2;
	p0 =	por !p0, !p1;
	p2 =	por !p2, !p6  }
0x10: {  	p1 =	por !p3, !p6;
	s8 =	sadd.s32 $0xACB0, s8;
	s14 =	simm.s32 $0x2  }
0x11: {  	s10 =	ssub.s32 s10, s28;
	s4 =	sshrl.u32 s4, $0x2;
	s5 =	sadd.s32 $0x5600, s6  }
0x12: {  	p0 =	por !p0, !p0;
	p2 =	por !p2, !p2;
	p1 =	por !p1, !p1  }
0x13: {  	s9 =	sadd.s32 $0xA800, s11;
	s11 =	simm.s32 $0x2780;
	s13 =	sadd.s32 s4, s7  }
0x14: {  	s4 =	sadd.s32 $0x600, s6;
	s7 =	sadd.s32 s30, s7;
	s10 =	smax.u32 s10, $0x1  }
0x15: {  	v1 =	vlaneseq.u32;
	p1 =	por @!p0 !p1, p2;
	p2 =	por !p2, p0;
	s6 =	sadd.s32 s12, s13  }
0x16: {  	v0 =	vimm.f32 $0.0e+00;
	v1 =	vmul.u32 $0x271, v1;
	s12 =	simm.s32 $0xA180;
	s13 =	simm.s32 $0x1;
	p1 =	por p1, p0  }
.LBB2_1:
0x17: {  	[tilespmem:s2], [sflag:$0x1] =	stream.linear.gather [hbm4b:s4+s2], $0x2710, $0x38;
	[tilespmem:$0xCA00] =	vst v63  }
0x18: {  	_ = 	snop  }
0x19: {  	[tilespmem:s11], [sflag:$0x2] =	stream.linear.gather [hbm4b:s5+s2], $0x2710, $0x38;
	[tilespmem:$0xCA00] =	vst v63  }
0x1a: {  	s24 =	simm.s32 $0x40;
	s25 =	simm.s32 $0x0  }
0x1b: {  	[tilespmem:s12], [sflag:$0x3] =	stream.linear.gather [hbm4b:s3+s2], $0x80, $0x38;
	[tilespmem:$0xCA00] =	vst v63  }
.LBB2_2:
0x1c: {  	p3 =	sne.s32 s24, $0x9FC0;
	[tilespmem:s25+$0x4F00] =	vst v0;
	s25 =	smov.u32 s24;
	s24 =	sadd.s32 $0x40, s24  }
.Ltmp0:
0x1d: {  	(pc) =	sbr.rel @p3 .LBB2_2-.Ltmp0, $2  }
0x1e: {  	_ =	sdelay $0x2  }
0x1f: {  	s25 =	sshra.s32 s25, $0x2  }
0x20: {  	[tilespmem:s25+$0x4F00] =	vst v0  }
0x21: {  	_ =	swait.ge [sflag:s13], $0x2710  }
0x22: {  	[sflag:s13] =	ssyncset.done $0x0  }
0x23: {  	[sflag:s13] =	ssyncadd.s32 $0xFFFFD8F0  }
0x24: {  	_ =	swait.ge [sflag:s14], $0x2710  }
0x25: {  	[sflag:s14] =	ssyncset.done $0x0  }
0x26: {  	s24 =	simm.s32 $0x18;
	[sflag:s14] =	ssyncadd.s32 $0xFFFFD8F0  }
.LBB2_4:
0x27: {  	s25 =	sadd.s32 $0xFFFFFFE8, s24  }
0x28: {  	v2 =	vadd.s32 s25, v1;
	_ =	sdelay $0x4  }
0x29: {  	v3 =	vld.idx.msk [tilespmem:v2+s11+$0x0], $0xffff;
	_ =	sdelay $0x2  }
0x2a: {  	s29 =	sadd.s32 $0xFFFFFFE9, s24;
	v2 =	vld.idx.msk [tilespmem:v2+s2+$0x0], $0xffff  }
0x2b: {  	v4 =	vadd.s32 s29, v1;
	_ =	sdelay $0x3  }
0x2c: {  	[tilespmem:v3+s15+$0x0] =	vst.idx.add.f32.msk $0xffff, v2  }
0x2d: {  	v2 =	vld.idx.msk [tilespmem:v4+s11+$0x0], $0xffff;
	_ =	sdelay $0x2  }
0x2e: {  	s30 =	sadd.s32 $0xFFFFFFEA, s24;
	v3 =	vld.idx.msk [tilespmem:v4+s2+$0x0], $0xffff  }
0x2f: {  	v41 =	vadd.s32 s30, v1;
	_ =	sdelay $0x3  }
0x30: {  	[tilespmem:v2+s15+$0x0] =	vst.idx.add.f32.msk $0xffff, v3  }
0x31: {  	v2 =	vld.idx.msk [tilespmem:v41+s11+$0x0], $0xffff;
	_ =	sdelay $0x2  }
0x32: {  	s31 =	sadd.s32 $0xFFFFFFEB, s24;
	v3 =	vld.idx.msk [tilespmem:v41+s2+$0x0], $0xffff  }
0x33: {  	v42 =	vadd.s32 s31, v1;
	_ =	sdelay $0x3  }
0x34: {  	[tilespmem:v2+s15+$0x0] =	vst.idx.add.f32.msk $0xffff, v3  }
0x35: {  	v2 =	vld.idx.msk [tilespmem:v42+s11+$0x0], $0xffff;
	_ =	sdelay $0x2  }
0x36: {  	s26 =	sadd.s32 $0xFFFFFFEC, s24;
	v3 =	vld.idx.msk [tilespmem:v42+s2+$0x0], $0xffff  }
0x37: {  	v43 =	vadd.s32 s26, v1;
	_ =	sdelay $0x3  }
0x38: {  	[tilespmem:v2+s15+$0x0] =	vst.idx.add.f32.msk $0xffff, v3  }
0x39: {  	v2 =	vld.idx.msk [tilespmem:v43+s11+$0x0], $0xffff;
	_ =	sdelay $0x2  }
0x3a: {  	s28 =	sadd.s32 $0xFFFFFFED, s24;
	v3 =	vld.idx.msk [tilespmem:v43+s2+$0x0], $0xffff  }
0x3b: {  	v44 =	vadd.s32 s28, v1;
	_ =	sdelay $0x3  }
0x3c: {  	[tilespmem:v2+s15+$0x0] =	vst.idx.add.f32.msk $0xffff, v3  }
0x3d: {  	v2 =	vld.idx.msk [tilespmem:v44+s11+$0x0], $0xffff;
	_ =	sdelay $0x2  }
0x3e: {  	s29 =	sadd.s32 $0xFFFFFFEE, s24;
	v3 =	vld.idx.msk [tilespmem:v44+s2+$0x0], $0xffff  }
0x3f: {  	v45 =	vadd.s32 s29, v1;
	_ =	sdelay $0x3  }
0x40: {  	[tilespmem:v2+s15+$0x0] =	vst.idx.add.f32.msk $0xffff, v3  }
0x41: {  	v2 =	vld.idx.msk [tilespmem:v45+s11+$0x0], $0xffff;
	_ =	sdelay $0x2  }
0x42: {  	s30 =	sadd.s32 $0xFFFFFFEF, s24;
	v3 =	vld.idx.msk [tilespmem:v45+s2+$0x0], $0xffff  }
0x43: {  	v46 =	vadd.s32 s30, v1;
	_ =	sdelay $0x3  }
0x44: {  	[tilespmem:v2+s15+$0x0] =	vst.idx.add.f32.msk $0xffff, v3  }
0x45: {  	v2 =	vld.idx.msk [tilespmem:v46+s11+$0x0], $0xffff;
	_ =	sdelay $0x2  }
0x46: {  	s31 =	sadd.s32 $0xFFFFFFF0, s24;
	v3 =	vld.idx.msk [tilespmem:v46+s2+$0x0], $0xffff  }
0x47: {  	v47 =	vadd.s32 s31, v1;
	_ =	sdelay $0x3  }
0x48: {  	[tilespmem:v2+s15+$0x0] =	vst.idx.add.f32.msk $0xffff, v3  }
0x49: {  	v2 =	vld.idx.msk [tilespmem:v47+s11+$0x0], $0xffff;
	_ =	sdelay $0x2  }
0x4a: {  	s26 =	sadd.s32 $0xFFFFFFF1, s24;
	v3 =	vld.idx.msk [tilespmem:v47+s2+$0x0], $0xffff  }
0x4b: {  	v48 =	vadd.s32 s26, v1;
	_ =	sdelay $0x3  }
0x4c: {  	[tilespmem:v2+s15+$0x0] =	vst.idx.add.f32.msk $0xffff, v3  }
0x4d: {  	v2 =	vld.idx.msk [tilespmem:v48+s11+$0x0], $0xffff;
	_ =	sdelay $0x2  }
0x4e: {  	s28 =	sadd.s32 $0xFFFFFFF2, s24;
	v3 =	vld.idx.msk [tilespmem:v48+s2+$0x0], $0xffff  }
0x4f: {  	v49 =	vadd.s32 s28, v1;
	_ =	sdelay $0x3  }
0x50: {  	[tilespmem:v2+s15+$0x0] =	vst.idx.add.f32.msk $0xffff, v3  }
0x51: {  	v2 =	vld.idx.msk [tilespmem:v49+s11+$0x0], $0xffff;
	_ =	sdelay $0x2  }
0x52: {  	s29 =	sadd.s32 $0xFFFFFFF3, s24;
	v3 =	vld.idx.msk [tilespmem:v49+s2+$0x0], $0xffff  }
0x53: {  	v50 =	vadd.s32 s29, v1;
	_ =	sdelay $0x3  }
0x54: {  	[tilespmem:v2+s15+$0x0] =	vst.idx.add.f32.msk $0xffff, v3  }
0x55: {  	v2 =	vld.idx.msk [tilespmem:v50+s11+$0x0], $0xffff;
	_ =	sdelay $0x2  }
0x56: {  	s30 =	sadd.s32 $0xFFFFFFF4, s24;
	v3 =	vld.idx.msk [tilespmem:v50+s2+$0x0], $0xffff  }
0x57: {  	v51 =	vadd.s32 s30, v1;
	_ =	sdelay $0x3  }
0x58: {  	[tilespmem:v2+s15+$0x0] =	vst.idx.add.f32.msk $0xffff, v3  }
0x59: {  	v2 =	vld.idx.msk [tilespmem:v51+s11+$0x0], $0xffff;
	_ =	sdelay $0x2  }
0x5a: {  	s31 =	sadd.s32 $0xFFFFFFF5, s24;
	v3 =	vld.idx.msk [tilespmem:v51+s2+$0x0], $0xffff  }
0x5b: {  	v52 =	vadd.s32 s31, v1;
	_ =	sdelay $0x3  }
0x5c: {  	[tilespmem:v2+s15+$0x0] =	vst.idx.add.f32.msk $0xffff, v3  }
0x5d: {  	v2 =	vld.idx.msk [tilespmem:v52+s11+$0x0], $0xffff;
	_ =	sdelay $0x2  }
0x5e: {  	s26 =	sadd.s32 $0xFFFFFFF6, s24;
	v3 =	vld.idx.msk [tilespmem:v52+s2+$0x0], $0xffff  }
0x5f: {  	v53 =	vadd.s32 s26, v1;
	_ =	sdelay $0x3  }
0x60: {  	[tilespmem:v2+s15+$0x0] =	vst.idx.add.f32.msk $0xffff, v3  }
0x61: {  	v2 =	vld.idx.msk [tilespmem:v53+s11+$0x0], $0xffff;
	_ =	sdelay $0x2  }
0x62: {  	s28 =	sadd.s32 $0xFFFFFFF7, s24;
	v3 =	vld.idx.msk [tilespmem:v53+s2+$0x0], $0xffff  }
0x63: {  	v54 =	vadd.s32 s28, v1;
	_ =	sdelay $0x3  }
0x64: {  	[tilespmem:v2+s15+$0x0] =	vst.idx.add.f32.msk $0xffff, v3  }
0x65: {  	v2 =	vld.idx.msk [tilespmem:v54+s11+$0x0], $0xffff;
	_ =	sdelay $0x2  }
0x66: {  	s29 =	sadd.s32 $0xFFFFFFF8, s24;
	v3 =	vld.idx.msk [tilespmem:v54+s2+$0x0], $0xffff  }
0x67: {  	v55 =	vadd.s32 s29, v1;
	_ =	sdelay $0x3  }
0x68: {  	[tilespmem:v2+s15+$0x0] =	vst.idx.add.f32.msk $0xffff, v3  }
0x69: {  	v2 =	vld.idx.msk [tilespmem:v55+s11+$0x0], $0xffff;
	_ =	sdelay $0x2  }
0x6a: {  	s30 =	sadd.s32 $0xFFFFFFF9, s24;
	v3 =	vld.idx.msk [tilespmem:v55+s2+$0x0], $0xffff  }
0x6b: {  	v56 =	vadd.s32 s30, v1;
	_ =	sdelay $0x3  }
0x6c: {  	[tilespmem:v2+s15+$0x0] =	vst.idx.add.f32.msk $0xffff, v3  }
0x6d: {  	v2 =	vld.idx.msk [tilespmem:v56+s11+$0x0], $0xffff;
	_ =	sdelay $0x2  }
0x6e: {  	s31 =	sadd.s32 $0xFFFFFFFA, s24;
	v3 =	vld.idx.msk [tilespmem:v56+s2+$0x0], $0xffff  }
0x6f: {  	v57 =	vadd.s32 s31, v1;
	_ =	sdelay $0x3  }
0x70: {  	[tilespmem:v2+s15+$0x0] =	vst.idx.add.f32.msk $0xffff, v3  }
0x71: {  	v2 =	vld.idx.msk [tilespmem:v57+s11+$0x0], $0xffff;
	_ =	sdelay $0x2  }
0x72: {  	s26 =	sadd.s32 $0xFFFFFFFB, s24;
	v3 =	vld.idx.msk [tilespmem:v57+s2+$0x0], $0xffff  }
0x73: {  	v58 =	vadd.s32 s26, v1;
	_ =	sdelay $0x3  }
0x74: {  	[tilespmem:v2+s15+$0x0] =	vst.idx.add.f32.msk $0xffff, v3  }
0x75: {  	v2 =	vld.idx.msk [tilespmem:v58+s11+$0x0], $0xffff;
	_ =	sdelay $0x2  }
0x76: {  	s28 =	sadd.s32 $0xFFFFFFFC, s24;
	v3 =	vld.idx.msk [tilespmem:v58+s2+$0x0], $0xffff  }
0x77: {  	v59 =	vadd.s32 s28, v1;
	_ =	sdelay $0x3  }
0x78: {  	[tilespmem:v2+s15+$0x0] =	vst.idx.add.f32.msk $0xffff, v3  }
0x79: {  	v2 =	vld.idx.msk [tilespmem:v59+s11+$0x0], $0xffff;
	_ =	sdelay $0x2  }
0x7a: {  	s29 =	sadd.s32 $0xFFFFFFFD, s24;
	v3 =	vld.idx.msk [tilespmem:v59+s2+$0x0], $0xffff  }
0x7b: {  	v60 =	vadd.s32 s29, v1;
	_ =	sdelay $0x3  }
0x7c: {  	[tilespmem:v2+s15+$0x0] =	vst.idx.add.f32.msk $0xffff, v3  }
0x7d: {  	v2 =	vld.idx.msk [tilespmem:v60+s11+$0x0], $0xffff;
	_ =	sdelay $0x2  }
0x7e: {  	s30 =	sadd.s32 $0xFFFFFFFE, s24;
	v3 =	vld.idx.msk [tilespmem:v60+s2+$0x0], $0xffff  }
0x7f: {  	v61 =	vadd.s32 s30, v1;
	_ =	sdelay $0x3  }
0x80: {  	[tilespmem:v2+s15+$0x0] =	vst.idx.add.f32.msk $0xffff, v3  }
0x81: {  	v2 =	vld.idx.msk [tilespmem:v61+s11+$0x0], $0xffff;
	_ =	sdelay $0x2  }
0x82: {  	s31 =	sadd.s32 $0xFFFFFFFF, s24;
	v3 =	vld.idx.msk [tilespmem:v61+s2+$0x0], $0xffff  }
0x83: {  	v62 =	vadd.s32 s31, v1;
	_ =	sdelay $0x3  }
0x84: {  	[tilespmem:v2+s15+$0x0] =	vst.idx.add.f32.msk $0xffff, v3  }
0x85: {  	v2 =	vld.idx.msk [tilespmem:v62+s11+$0x0], $0xffff;
	_ =	sdelay $0x2  }
0x86: {  	v3 =	vld.idx.msk [tilespmem:v62+s2+$0x0], $0xffff  }
0x87: {  	v63 =	vadd.s32 s24, v1;
	_ =	sdelay $0x3  }
0x88: {  	[tilespmem:v2+s15+$0x0] =	vst.idx.add.f32.msk $0xffff, v3  }
0x89: {  	v2 =	vld.idx.msk [tilespmem:v63+s11+$0x0], $0xffff;
	_ =	sdelay $0x2  }
0x8a: {  	p3 =	sne.s32 s24, $0x270;
	v3 =	vld.idx.msk [tilespmem:v63+s2+$0x0], $0xffff  }
.Ltmp1:
0x8b: {  	_ = 	snop;
	(pc) =	sbr.rel @p3 .LBB2_4-.Ltmp1, $2  }
0x8c: {  	_ =	sdelay $0x2  }
0x8d: {  	s24 =	sadd.s32 $0x19, s24;
	[tilespmem:v2+s15+$0x0] =	vst.idx.add.f32.msk $0xffff, v3  }
0x8e: {  	[spmem:s6] =	stream.strided.scatter [tilespmem:s15], [sflag:$0x4], $0x2800, s17, s16, $0x38;
	[tilespmem:$0xCA00] =	vst v63  }
0x8f: {  	_ =	swait.ge [sflag:s18], $0x2800  }
0x90: {  	[sflag:s18] =	ssyncset.done $0x0  }
0x91: {  	[sflag:s18] =	ssyncadd.s32 $0xFFFFD800  }
0x92: {  	[bflag:$0x0] =	sbarrier.arrive $0xFFFF  }
0x93: {  	[tilespmem:s21], [sflag:$0x4] =	stream.strided.gather [spmem:s7], $0x2800, s20, s19, $0x38;
	[tilespmem:$0xCA00] =	vst v63  }
0x94: {  	_ =	swait.ge [sflag:s18], $0x2800  }
0x95: {  	[sflag:s18] =	ssyncset.done $0x0  }
0x96: {  	[sflag:s18] =	ssyncadd.s32 $0xFFFFD800  }
0x97: {  	s24 =	simm.s32 $0x0;
	_ =	swait.ge [sflag:s22], $0x80  }
0x98: {  	s25 =	sand.u32 $0x70, s24;
	s24 =	sand.u32 $0x1C00, s24;
	[sflag:s22] =	ssyncset.done $0x0  }
0x99: {  	s24 =	sor.u32 s25, s24;
	[sflag:s22] =	ssyncadd.s32 $0xFFFFFF80  }
0x9a: {  	v2 =	vld [tilespmem:s24+$0x7700]  }
0x9b: {  	v3 =	vld [tilespmem:$0xA180];
	_ =	sdelay $0x1  }
0x9c: {  	v4 =	vld [tilespmem:s24+$0x7780];
	_ =	sdelay $0x1  }
0x9d: {  	v5 =	vld [tilespmem:s24+$0x7800]  }
0x9e: {  	v2 =	vadd.f32 v2, v3  }
0x9f: {  	v3 =	vld [tilespmem:s24+$0x7880]  }
0xa0: {  	v2 =	vadd.f32 v4, v2  }
0xa1: {  	v56 =	vld [tilespmem:s24+$0x7900]  }
0xa2: {  	v2 =	vadd.f32 v5, v2  }
0xa3: {  	v57 =	vld [tilespmem:s24+$0x7980]  }
0xa4: {  	v2 =	vadd.f32 v3, v2  }
0xa5: {  	v3 =	vld [tilespmem:s24+$0x7A00]  }
0xa6: {  	v2 =	vadd.f32 v56, v2  }
0xa7: {  	v58 =	vld [tilespmem:s24+$0x7A80]  }
0xa8: {  	v2 =	vadd.f32 v57, v2  }
0xa9: {  	v59 =	vld [tilespmem:s24+$0x8B00]  }
0xaa: {  	v2 =	vadd.f32 v3, v2  }
0xab: {  	v3 =	vld [tilespmem:s24+$0x8B80]  }
0xac: {  	v2 =	vadd.f32 v58, v2  }
0xad: {  	v60 =	vld [tilespmem:s24+$0x8C00]  }
0xae: {  	v2 =	vadd.f32 v59, v2  }
0xaf: {  	v61 =	vld [tilespmem:s24+$0x8C80]  }
0xb0: {  	v2 =	vadd.f32 v3, v2  }
0xb1: {  	v3 =	vld [tilespmem:s24+$0x8D00]  }
0xb2: {  	v2 =	vadd.f32 v60, v2  }
0xb3: {  	v62 =	vld [tilespmem:s24+$0x8D80]  }
0xb4: {  	v2 =	vadd.f32 v61, v2  }
0xb5: {  	v63 =	vld [tilespmem:s24+$0x8E00]  }
0xb6: {  	v2 =	vadd.f32 v3, v2  }
0xb7: {  	v3 =	vld [tilespmem:s24+$0x8E80]  }
0xb8: {  	v2 =	vadd.f32 v62, v2;
	_ =	sdelay $0x1  }
0xb9: {  	v2 =	vadd.f32 v63, v2;
	_ =	sdelay $0x1  }
0xba: {  	s31 =	simm.s32 $0x10;
	s26 =	simm.s32 $0x80;
	v2 =	vadd.f32 v3, v2  }
0xbb: {  	s28 =	sand.u32 $0x1C00, s26;
	s25 =	sand.u32 $0x70, s31;
	s24 =	simm.s32 $0x9F00  }
0xbc: {  	s25 =	sor.u32 s25, s28;
	s28 =	simm.s32 $0x20;
	[tilespmem:s24+$0x0] =	vst v2  }
.LBB2_6:
0xbd: {  	p3 =	sne.s32 s28, $0x270;
	v2 =	vld [tilespmem:s25+$0x7700]  }
0xbe: {  	v3 =	vld [tilespmem:$0xA180];
	_ =	sdelay $0x1  }
0xbf: {  	v4 =	vld [tilespmem:s25+$0x7780];
	_ =	sdelay $0x1  }
0xc0: {  	v5 =	vld [tilespmem:s25+$0x7800]  }
0xc1: {  	v2 =	vadd.f32 v2, v3  }
0xc2: {  	v3 =	vld [tilespmem:s25+$0x7880]  }
0xc3: {  	v2 =	vadd.f32 v4, v2  }
0xc4: {  	v4 =	vld [tilespmem:s25+$0x7900]  }
0xc5: {  	v2 =	vadd.f32 v5, v2  }
0xc6: {  	v5 =	vld [tilespmem:s25+$0x7980]  }
0xc7: {  	v2 =	vadd.f32 v3, v2  }
0xc8: {  	v3 =	vld [tilespmem:s25+$0x7A00]  }
0xc9: {  	v2 =	vadd.f32 v4, v2  }
0xca: {  	v4 =	vld [tilespmem:s25+$0x7A80]  }
0xcb: {  	v2 =	vadd.f32 v5, v2  }
0xcc: {  	v5 =	vld [tilespmem:s25+$0x8B00]  }
0xcd: {  	v2 =	vadd.f32 v3, v2  }
0xce: {  	v3 =	vld [tilespmem:s25+$0x8B80]  }
0xcf: {  	v2 =	vadd.f32 v4, v2  }
0xd0: {  	v4 =	vld [tilespmem:s25+$0x8C00]  }
0xd1: {  	v2 =	vadd.f32 v5, v2  }
0xd2: {  	v5 =	vld [tilespmem:s25+$0x8C80]  }
0xd3: {  	v2 =	vadd.f32 v3, v2  }
0xd4: {  	v3 =	vld [tilespmem:s25+$0x8D00]  }
0xd5: {  	v2 =	vadd.f32 v4, v2  }
0xd6: {  	v4 =	vld [tilespmem:s25+$0x8D80]  }
0xd7: {  	v2 =	vadd.f32 v5, v2  }
0xd8: {  	v5 =	vld [tilespmem:s25+$0x8E00]  }
0xd9: {  	v2 =	vadd.f32 v3, v2  }
0xda: {  	v3 =	vld [tilespmem:s25+$0x8E80]  }
0xdb: {  	v2 =	vadd.f32 v4, v2;
	_ =	sdelay $0x1  }
.Ltmp2:
0xdc: {  	v2 =	vadd.f32 v5, v2;
	(pc) =	sbr.rel @p3 .LBB2_6-.Ltmp2, $4  }
0xdd: {  	_ = 	snop  }
0xde: {  	s26 =	sadd.s32 $0x80, s26;
	v2 =	vadd.f32 v3, v2  }
0xdf: {  	s24 =	sadd.s32 $0x10, s24;
	s29 =	sand.u32 $0x1C00, s26;
	s25 =	sand.u32 $0x70, s28  }
0xe0: {  	s28 =	sadd.s32 $0x10, s28;
	s25 =	sor.u32 s25, s29;
	[tilespmem:s24+$0x0] =	vst v2  }
0xe1: {  	v2 =	vld [tilespmem:s25+$0x7700]  }
0xe2: {  	v3 =	vld [tilespmem:$0xA180];
	_ =	sdelay $0x1  }
0xe3: {  	v4 =	vld [tilespmem:s25+$0x7780];
	_ =	sdelay $0x1  }
0xe4: {  	v5 =	vld [tilespmem:s25+$0x7800]  }
0xe5: {  	v2 =	vadd.f32 v2, v3  }
0xe6: {  	v3 =	vld [tilespmem:s25+$0x7880]  }
0xe7: {  	v2 =	vadd.f32 v4, v2  }
0xe8: {  	v56 =	vld [tilespmem:s25+$0x7900]  }
0xe9: {  	v2 =	vadd.f32 v5, v2  }
0xea: {  	v57 =	vld [tilespmem:s25+$0x7980]  }
0xeb: {  	v2 =	vadd.f32 v3, v2  }
0xec: {  	v3 =	vld [tilespmem:s25+$0x7A00]  }
0xed: {  	v2 =	vadd.f32 v56, v2  }
0xee: {  	v58 =	vld [tilespmem:s25+$0x7A80]  }
0xef: {  	v2 =	vadd.f32 v57, v2  }
0xf0: {  	v59 =	vld [tilespmem:s25+$0x8B00]  }
0xf1: {  	v2 =	vadd.f32 v3, v2  }
0xf2: {  	v3 =	vld [tilespmem:s25+$0x8B80]  }
0xf3: {  	v2 =	vadd.f32 v58, v2  }
0xf4: {  	v60 =	vld [tilespmem:s25+$0x8C00]  }
0xf5: {  	v2 =	vadd.f32 v59, v2  }
0xf6: {  	v61 =	vld [tilespmem:s25+$0x8C80]  }
0xf7: {  	v2 =	vadd.f32 v3, v2  }
0xf8: {  	v3 =	vld [tilespmem:s25+$0x8D00]  }
0xf9: {  	v2 =	vadd.f32 v60, v2  }
0xfa: {  	v62 =	vld [tilespmem:s25+$0x8D80]  }
0xfb: {  	v2 =	vadd.f32 v61, v2  }
0xfc: {  	v63 =	vld [tilespmem:s25+$0x8E00]  }
0xfd: {  	v2 =	vadd.f32 v3, v2  }
0xfe: {  	v3 =	vld [tilespmem:s25+$0x8E80]  }
0xff: {  	v2 =	vadd.f32 v62, v2;
	_ =	sdelay $0x1  }
0x100: {  	v2 =	vadd.f32 v63, v2;
	_ =	sdelay $0x1  }
0x101: {  	v2 =	vadd.f32 v3, v2  }
0x102: {  	s24 =	sadd.s32 $0x10, s24  }
0x103: {  	s25 =	simm.s32 @!p1 $0x9F00;
	[tilespmem:s24+$0x0] =	vst v2;
	s24 =	simm.s32 @!p1 $0x0  }
0x104: {  	[hbm4b:s8+s24] =	stream.linear.scatter @!p1 [tilespmem:s25], [sflag:$0x4], $0x190, $0x38;
	[tilespmem:$0xCA00] =	vst v63  }
0x105: {  	s24 =	simm.s32 @!p1 $0x4  }
0x106: {  	_ =	swait.ge @!p1 [sflag:s24], $0x190  }
0x107: {  	[sflag:s24] =	ssyncset.done @!p1 $0x0  }
0x108: {  	s25 =	simm.s32 @!p2 $0x9F00;
	[sflag:s24] =	ssyncadd.s32 @!p1 $0xFFFFFE70;
	s24 =	simm.s32 @!p2 $0x0  }
0x109: {  	[hbm4b:s9+s24] =	stream.linear.scatter @!p2 [tilespmem:s25], [sflag:$0x4], $0x280, $0x38;
	[tilespmem:$0xCA00] =	vst v63  }
0x10a: {  	s24 =	simm.s32 @!p2 $0x4  }
0x10b: {  	s23 =	sadd.s32 $0x1, s23;
	_ =	swait.ge @!p2 [sflag:s24], $0x280  }
0x10c: {  	p3 =	sne.s32 s23, s10;
	[sflag:s24] =	ssyncset.done @!p2 $0x0  }
0x10d: {  	s25 =	simm.s32 @p0 $0x9F00;
	[sflag:s24] =	ssyncadd.s32 @!p2 $0xFFFFFD80;
	s24 =	simm.s32 @p0 $0x0  }
0x10e: {  	[hbm4b:s9+s24] =	stream.linear.scatter @p0 [tilespmem:s25], [sflag:$0x4], $0x280, $0x38;
	[tilespmem:$0xCA00] =	vst v63  }
.Ltmp3:
0x10f: {  	_ = 	snop;
	(pc) =	sbr.rel @p3 .LBB2_1-.Ltmp3, $4  }
0x110: {  	s24 =	simm.s32 @p0 $0x4  }
0x111: {  	_ =	swait.ge @p0 [sflag:s24], $0x280  }
0x112: {  	[sflag:s24] =	ssyncset.done @p0 $0x0  }
0x113: {  	[sflag:s24] =	ssyncadd.s32 @p0 $0xFFFFFD80  }
0x114: {  	_ =	sfence.sel $0x180000  }
0x115: {  	[bflag:$0x0] =	sbarrier.arrive $0xFFFF  }
0x116: {  	p0 =	sne.s32 s1, $0x0;
	_ =	strace $0x90000047  }
0x117: {  	s0 =	sadd.s32 @!p0 $0x100000, s0;
	[bflag:$0x2] =	sbarrier.arrive $0xFFFF  }
0x118: {  	[sflag:s0] =	ssyncadd.tile.s32 @!p0 $0x1;
	_ =	shalt  }
.Lfunc_end2:
_tile_overlayer_lowered:
.L_overlay_start_2:
0x119: {  	(tag) =	ssettag $0x2  }
0x11a: {  	s0 =	rddreg [dreg:$0x0];
	s2 =	stileid.u32  }
0x11b: {  	s1 =	rddreg [dreg:$0x1];
	p0 =	sne.s32 s2, $0x0  }
0x11c: {  	s3 =	rddreg [dreg:$0x2];
	[bflag:$0x3] =	sbarrier.arrive $0xFFFF;
	s2 =	simm.s32 @!p0 $0x1C04  }
0x11d: {  	[timem:s3], [sflag:s2] =	dma.local @!p0 [hbm:s0], s1  }
0x11e: {  	s0 =	simm.s32 @!p0 $0x4  }
0x11f: {  	_ =	swait.ge @!p0 [sflag:s0], s1  }
0x120: {  	s1 =	ssub.s32 @!p0 $0x0, s1;
	[sflag:s0] =	ssyncset.done @!p0 $0x0  }
0x121: {  	[sflag:s0] =	ssyncadd.s32 @!p0 s1  }
0x122: {  	[bflag:$0x3] =	sbarrier.arrive $0xFFFF  }
0x123: {  	_ =	shalt  }

</sc_bundles>
